<compile_context>
chip_gen: v7x
topology: tpu7x:2x2x1
jax: 0.10.2.dev20260603
libtpu: 0.0.44.dev20260713+nightly
codegen_flags: <defaults>
</compile_context>

<pallas_src>
import functools

import jax
import jax.numpy as jnp
from jax import lax
from jax.experimental import pallas as pl
from jax.experimental.pallas import tpu as pltpu
from jax.experimental.pallas import tpu_sc as plsc

_N = 10000
_D = 128
_H = 128
_C = 64
_P = 128

_NP = 10112
_NC = 2
_NS = 16
_NW = _NC * _NS
_CHUNK = 128
_ROWS_PT = _NP // _NS


def _elu(x):
    return jnp.where(x > 0, x, jnp.exp(x) - 1.0)


def _deg_body(row_hbm, out_hbm, idx0_v, idx1_v, idx2_v, idx3_v,
              ones_v, zrow_v, deg_sh,
              i0, i1, i2, i3, s0, s1, s2, s3):
    c = lax.axis_index("c")
    s = lax.axis_index("s")
    wid = c * _NS + s
    epw = row_hbm.shape[0] // _NW
    base = wid * epw
    idxs = (idx0_v, idx1_v, idx2_v, idx3_v)
    isems = (i0, i1, i2, i3)
    ssems = (s0, s1, s2, s3)

    def _z16(i, carry):
        zrow_v[pl.ds(i * 16, 16)] = jnp.zeros((16,), jnp.float32)
        return carry

    lax.fori_loop(0, 640 // 16, _z16, 0)
    for q in range(_CHUNK // 16):
        ones_v[pl.ds(q * 16, 16)] = jnp.ones((16,), jnp.float32)
    pltpu.sync_copy(zrow_v.at[pl.ds(0, _ROWS_PT)],
                    deg_sh.at[pl.ds(s * _ROWS_PT, _ROWS_PT)])
    plsc.subcore_barrier()

    def _group(g, carry):
        icps = [pltpu.async_copy(
            row_hbm.at[pl.ds(base + (g * 4 + b) * _CHUNK, _CHUNK)],
            idxs[b], isems[b]) for b in range(4)]
        scps = []
        for b in range(4):
            icps[b].wait()
            scps.append(pltpu.async_copy(
                ones_v, deg_sh.at[idxs[b]], ssems[b], add=True))
        for cp in scps:
            cp.wait()
        return carry

    lax.fori_loop(0, epw // _CHUNK // 4, _group, 0)
    plsc.subcore_barrier()

    pltpu.sync_copy(deg_sh.at[pl.ds(s * _ROWS_PT, _ROWS_PT)],
                    zrow_v.at[pl.ds(0, _ROWS_PT)])
    pltpu.sync_copy(zrow_v, out_hbm.at[c, s])


def _spmm_body(rc_hbm, mvsa_hbm, mvsb_hbm, pmv_hbm,
               pidx0_v, pidx1_v, cidx0_v, cidx1_v, sidx0_v, sidx1_v,
               rows0_v, rows1_v, zbuf_v,
               acc_sh, i0, i1, g0, g1, s0, s1):
    c = lax.axis_index("c")
    s = lax.axis_index("s")
    wid = c * _NS + s
    epw = rc_hbm.shape[0] // _NW
    base = wid * epw
    pidxs = (pidx0_v, pidx1_v)
    cidxs = (cidx0_v, cidx1_v)
    sidxs = (sidx0_v, sidx1_v)
    rows = (rows0_v, rows1_v)
    isems = (i0, i1)
    gsems = (g0, g1)
    ssems = (s0, s1)

    def _z2d(i, carry):
        for q in range(_P // 16):
            zbuf_v[i, pl.ds(q * 16, 16)] = jnp.zeros((16,), jnp.float32)
        return carry

    lax.fori_loop(0, _CHUNK, _z2d, 0)
    for j in range(4):
        off = s * _ROWS_PT + j * _CHUNK
        pltpu.sync_copy(zbuf_v, acc_sh.at[pl.ds(off, _CHUNK)])
    off = s * _ROWS_PT + 4 * _CHUNK
    pltpu.sync_copy(zbuf_v.at[pl.ds(0, _ROWS_PT - 4 * _CHUNK)],
                    acc_sh.at[pl.ds(off, _ROWS_PT - 4 * _CHUNK)])
    plsc.subcore_barrier()

    tabs = (mvsa_hbm, mvsb_hbm)

    def _group(g, carry):
        icps = [pltpu.async_copy(
            rc_hbm.at[pl.ds(base + (g * 2 + b) * _CHUNK, _CHUNK)],
            pidxs[b], isems[b]) for b in range(2)]
        gcps = []
        for b in range(2):
            icps[b].wait()
            for q in range(_CHUNK // 16):
                v = pidxs[b][pl.ds(q * 16, 16)]
                cidxs[b][pl.ds(q * 16, 16)] = jnp.bitwise_and(v, 16383)
                sidxs[b][pl.ds(q * 16, 16)] = lax.shift_right_logical(v, 14)
            gcps.append(pltpu.async_copy(
                tabs[b].at[cidxs[b]], rows[b], gsems[b]))
        scps = []
        for b in range(2):
            gcps[b].wait()
            scps.append(pltpu.async_copy(
                rows[b], acc_sh.at[sidxs[b]], ssems[b], add=True))
        for cp in scps:
            cp.wait()
        return carry

    lax.fori_loop(0, epw // _CHUNK // 2, _group, 0)
    plsc.subcore_barrier()

    for j in range(4):
        off = s * _ROWS_PT + j * _CHUNK
        pltpu.sync_copy(acc_sh.at[pl.ds(off, _CHUNK)], zbuf_v)
        pltpu.sync_copy(zbuf_v, pmv_hbm.at[c, pl.ds(off, _CHUNK)])
    off = s * _ROWS_PT + 4 * _CHUNK
    tail = _ROWS_PT - 4 * _CHUNK
    pltpu.sync_copy(acc_sh.at[pl.ds(off, tail)], zbuf_v.at[pl.ds(0, tail)])
    pltpu.sync_copy(zbuf_v.at[pl.ds(0, tail)], pmv_hbm.at[c, pl.ds(off, tail)])


def _dense_body(x_ref, deg_ref, w0m_ref, b0m_ref, w0v_ref, b0v_ref,
                w1m_ref, b1m_ref, w1v_ref, b1v_ref, mvs_ref):
    dot = functools.partial(jnp.dot, preferred_element_type=jnp.float32)
    xb = x_ref[...]
    hm = _elu(dot(xb, w0m_ref[...]) + b0m_ref[...])
    hv = jnp.maximum(dot(xb, w0v_ref[...]) + b0v_ref[...], 0.0)
    m = _elu(dot(hm, w1m_ref[...]) + b1m_ref[...])
    v = jnp.maximum(dot(hv, w1v_ref[...]) + b1v_ref[...], 0.0) + 1e-6
    att = jnp.exp(-v)
    deg = deg_ref[...]
    dinv0 = lax.rsqrt(deg)
    dinv1 = 1.0 / deg
    mvs_ref[...] = jnp.concatenate(
        [dinv0 * (m * att), dinv1 * (v * att * att)], axis=1)


def _final_body(pmv_ref, mvs_ref, deg_ref, smp_ref, out_ref):
    deg = deg_ref[...]
    dinv0 = lax.rsqrt(deg)
    dinv1 = 1.0 / deg
    tot = pmv_ref[0] + pmv_ref[1] + mvs_ref[...]
    mean = dinv0 * tot[:, :_C]
    var = dinv1 * tot[:, _C:]
    o = mean + smp_ref[...] * jnp.sqrt(var)
    o = o - jnp.max(o, axis=-1, keepdims=True)
    out_ref[...] = o - jnp.log(jnp.sum(jnp.exp(o), axis=-1, keepdims=True))


def kernel(x, adj, W0m, b0m, W0v, b0v, W1m, b1m, W1v, b1v):
    sample = jax.random.normal(jax.random.key(42), (_N, _C), dtype=jnp.float32)
    e = adj.shape[1]
    epw = -(-e // (_NW * 4 * _CHUNK)) * 4 * _CHUNK
    ep = epw * _NW

    rowp = jnp.concatenate([adj[0], jnp.full((ep - e,), _NP - 1, jnp.int32)])
    colp = jnp.concatenate([adj[1], jnp.zeros((ep - e,), jnp.int32)])

    mesh = plsc.VectorSubcoreMesh(core_axis_name="c", subcore_axis_name="s")

    deg_call = pl.kernel(
        _deg_body,
        out_type=jax.ShapeDtypeStruct((_NC, _NS, 640), jnp.float32),
        mesh=mesh,
        scratch_types=(
            [pltpu.VMEM((_CHUNK,), jnp.int32)] * 4 +
            [pltpu.VMEM((_CHUNK,), jnp.float32),
             pltpu.VMEM((640,), jnp.float32),
             pltpu.VMEM_SHARED((_NP,), jnp.float32)] +
            [pltpu.SemaphoreType.DMA] * 8
        ),
    )
    pdeg = deg_call(rowp)
    pdeg = pdeg[:, :, :_ROWS_PT].reshape(_NC, _NP)
    deg2 = (pdeg[0, :_N] + pdeg[1, :_N] + 1.0).reshape(_N, 1)

    nb = 10
    bn = _N // nb
    mvs = pl.pallas_call(
        _dense_body,
        grid=(nb,),
        in_specs=[
            pl.BlockSpec((bn, _D), lambda i: (i, 0)),
            pl.BlockSpec((bn, 1), lambda i: (i, 0)),
            pl.BlockSpec((_D, _H), lambda i: (0, 0)),
            pl.BlockSpec((1, _H), lambda i: (0, 0)),
            pl.BlockSpec((_D, _H), lambda i: (0, 0)),
            pl.BlockSpec((1, _H), lambda i: (0, 0)),
            pl.BlockSpec((_H, _C), lambda i: (0, 0)),
            pl.BlockSpec((1, _C), lambda i: (0, 0)),
            pl.BlockSpec((_H, _C), lambda i: (0, 0)),
            pl.BlockSpec((1, _C), lambda i: (0, 0)),
        ],
        out_specs=pl.BlockSpec((bn, _P), lambda i: (i, 0)),
        out_shape=jax.ShapeDtypeStruct((_N, _P), jnp.float32),
    )(x, deg2, W0m, b0m.reshape(1, _H), W0v, b0v.reshape(1, _H),
      W1m, b1m.reshape(1, _C), W1v, b1v.reshape(1, _C))

    spmm_call = pl.kernel(
        _spmm_body,
        out_type=jax.ShapeDtypeStruct((_NC, _NP, _P), jnp.float32),
        mesh=mesh,
        scratch_types=(
            [pltpu.VMEM((_CHUNK,), jnp.int32)] * 6 +
            [pltpu.VMEM((_CHUNK, _P), jnp.float32)] * 3 +
            [pltpu.VMEM_SHARED((_NP, _P), jnp.float32)] +
            [pltpu.SemaphoreType.DMA] * 6
        ),
    )
    one = 1.0 + 0.0 * deg2[0, 0]
    rc = rowp * 16384 + colp
    pmv = spmm_call(rc, mvs, mvs * one)

    out = pl.pallas_call(
        _final_body,
        grid=(nb,),
        in_specs=[
            pl.BlockSpec((_NC, bn, _P), lambda i: (0, i, 0)),
            pl.BlockSpec((bn, _P), lambda i: (i, 0)),
            pl.BlockSpec((bn, 1), lambda i: (i, 0)),
            pl.BlockSpec((bn, _C), lambda i: (i, 0)),
        ],
        out_specs=pl.BlockSpec((bn, _C), lambda i: (i, 0)),
        out_shape=jax.ShapeDtypeStruct((_N, _C), jnp.float32),
    )(pmv, mvs, deg2, sample)
    return out

# --- scband reference (transcript-rebuilt; emitter-appended) ---
"""Pipeline reference for scband-robust-gcn-19911468384631 (READ-ONLY COPY).

The authoritative reference and input builder live on the scoring server;
editing this copy changes nothing except your own understanding.
"""

import jax, jax.numpy as jnp
import numpy as np

N = 10000
E = 320000
D = 128
H = 128
C = 64


def setup_inputs(seed: int = 0) -> dict:
    key = jax.random.key(seed)
    ks = jax.random.split(key, 12)
    x = jax.random.normal(ks[0], (N, D), dtype=jnp.float32)
    adj = jax.random.randint(ks[1], (2, E), 0, N, dtype=jnp.int32)
    s0 = 1.0 / np.sqrt(D)
    s1 = 1.0 / np.sqrt(H)
    W0m = jax.random.uniform(ks[2], (D, H), jnp.float32, -s0, s0)
    b0m = jax.random.uniform(ks[3], (H,), jnp.float32, -s0, s0)
    W0v = jax.random.uniform(ks[4], (D, H), jnp.float32, -s0, s0)
    b0v = jax.random.uniform(ks[5], (H,), jnp.float32, -s0, s0)
    W1m = jax.random.uniform(ks[6], (H, C), jnp.float32, -s1, s1)
    b1m = jax.random.uniform(ks[7], (C,), jnp.float32, -s1, s1)
    W1v = jax.random.uniform(ks[8], (H, C), jnp.float32, -s1, s1)
    b1v = jax.random.uniform(ks[9], (C,), jnp.float32, -s1, s1)
    return {"x": x, "adj": adj, "W0m": W0m, "b0m": b0m, "W0v": W0v, "b0v": b0v,
            "W1m": W1m, "b1m": b1m, "W1v": W1v, "b1v": b1v}


def _gcn_norm(adj, order):
    # add self loops with weight 1.0
    loop = jnp.arange(N, dtype=adj.dtype)
    row = jnp.concatenate([adj[0], loop])
    col = jnp.concatenate([adj[1], loop])
    w = jnp.ones(row.shape[0], dtype=jnp.float32)
    deg = jax.ops.segment_sum(w, row, num_segments=N)
    dinv = jnp.power(deg, order)
    dinv = jnp.where(jnp.isinf(dinv), 0.0, dinv)
    wn = dinv[row] * w * dinv[col]
    return row, col, wn


def _spmm(row, col, wn, X):
    return jax.ops.segment_sum(wn[:, None] * jnp.take(X, col, axis=0), row, num_segments=N)


def reference(x, adj, W0m, b0m, W0v, b0v, W1m, b1m, W1v, b1v):
    row0, col0, wn0 = _gcn_norm(adj, -0.5)
    row1, col1, wn1 = _gcn_norm(adj, -1.0)
    # layer 0 (initial=True): eval mode -> dropout is identity
    mean = jax.nn.elu(x @ W0m + b0m)
    var = jax.nn.relu(x @ W0v + b0v)
    # layer 1
    mean = jax.nn.elu(mean @ W1m + b1m)
    var = jax.nn.relu(var @ W1v + b1v) + 1e-06
    attention = jnp.exp(-var)
    mean = mean * attention
    var = var * attention * attention
    mean = _spmm(row0, col0, wn0, mean)
    var = _spmm(row1, col1, wn1, var)
    sample = jax.random.normal(jax.random.key(42), var.shape, dtype=jnp.float32)
    output = mean + sample * jnp.power(var, 0.5)
    return jax.nn.log_softmax(output, axis=-1)

if __name__ == "__main__":
    import jax
    _d = setup_inputs()
    print(jax.jit(kernel)(*tuple(_d.values())))

</pallas_src>

<mosaic_0001>
#map = affine_map<(d0, d1) -> (0)>
#map1 = affine_map<(d0, d1) -> (0, 0)>
#map2 = affine_map<(d0, d1) -> (0, 0, 0)>
module attributes {stable_mosaic.version = 14 : i64} {
  func.func @_spmm_body(%arg0: i32, %arg1: i32, %arg2: memref<327680xi32, #tpu.memory_space<hbm>>, %arg3: memref<10000x128xf32, #tpu.memory_space<hbm>>, %arg4: memref<10000x128xf32, #tpu.memory_space<hbm>>, %arg5: memref<2x10112x128xf32, #tpu.memory_space<hbm>>, %arg6: memref<128xi32, #tpu.memory_space<vmem>>, %arg7: memref<128xi32, #tpu.memory_space<vmem>>, %arg8: memref<128xi32, #tpu.memory_space<vmem>>, %arg9: memref<128xi32, #tpu.memory_space<vmem>>, %arg10: memref<128xi32, #tpu.memory_space<vmem>>, %arg11: memref<128xi32, #tpu.memory_space<vmem>>, %arg12: memref<128x128xf32, #tpu.memory_space<vmem>>, %arg13: memref<128x128xf32, #tpu.memory_space<vmem>>, %arg14: memref<128x128xf32, #tpu.memory_space<vmem>>, %arg15: memref<10112x128xf32, #tpu.memory_space<vmem_shared>>, %arg16: memref<!tpu.dma_semaphore, #tpu.memory_space<semaphore_mem>>, %arg17: memref<!tpu.dma_semaphore, #tpu.memory_space<semaphore_mem>>, %arg18: memref<!tpu.dma_semaphore, #tpu.memory_space<semaphore_mem>>, %arg19: memref<!tpu.dma_semaphore, #tpu.memory_space<semaphore_mem>>, %arg20: memref<!tpu.dma_semaphore, #tpu.memory_space<semaphore_mem>>, %arg21: memref<!tpu.dma_semaphore, #tpu.memory_space<semaphore_mem>>) attributes {dimension_semantics = [#tpu.dimension_semantics<core_parallel>, #tpu.dimension_semantics<subcore_parallel>], iteration_bounds = array<i64: 2, 16>, scalar_prefetch = 0 : i64, scratch_operands = 16 : i64, tpu.core_type = #tpu.core_type<sc_vector_subcore>, window_params = [{transform_indices = #map}, {transform_indices = #map1}, {transform_indices = #map1}, {transform_indices = #map2}]} {
    %mul3A = arith.constant 16 : i32
    %mul3A_0 = arith.muli %arg0, %mul3A : i32
    %add3A = arith.addi %mul3A_0, %arg1 : i32
    %mul3A_1 = arith.constant 10240 : i32
    %mul3A_2 = arith.muli %add3A, %mul3A_1 : i32
    %scan3A = arith.constant 0 : i32
    %scan3A_3 = arith.constant 0 : i32
    %scan3A_4 = arith.constant 128 : i32
    %scan3A_5 = arith.addi %scan3A_3, %scan3A_4 : i32
    %scan3A_6 = arith.constant 1 : i32
    scf.for %scan3A_55 = %scan3A_3 to %scan3A_5 step %scan3A_6  : i32 {
      %broadcast_in_dim3A = arith.constant 0.000000e+00 : f32
      %broadcast_in_dim3A_56 = vector.broadcast %broadcast_in_dim3A : f32 to vector<16xf32>
      %swap3A = arith.index_cast %scan3A_55 : i32 to index
      %swap3A_57 = arith.constant 0 : index
      %swap3A_58 = tpu.vector_load %arg14[%swap3A, %swap3A_57] {strides = array<i32>} : memref<128x128xf32, #tpu.memory_space<vmem>>, vector<1x16xf32>,
      %swap3A_59 = vector.shape_cast %swap3A_58 : vector<1x16xf32> to vector<16xf32>
      %swap3A_60 = vector.shape_cast %broadcast_in_dim3A_56 : vector<16xf32> to vector<1x16xf32>
      tpu.vector_store %arg14[%swap3A, %swap3A_57], %swap3A_60 {strides = array<i32>} : memref<128x128xf32, #tpu.memory_space<vmem>>, vector<1x16xf32>,
      %broadcast_in_dim3A_61 = arith.constant 0.000000e+00 : f32
      %broadcast_in_dim3A_62 = vector.broadcast %broadcast_in_dim3A_61 : f32 to vector<16xf32>
      %swap3A_63 = arith.index_cast %scan3A_55 : i32 to index
      %swap3A_64 = arith.constant 16 : index
      %swap3A_65 = tpu.vector_load %arg14[%swap3A_63, %swap3A_64] {strides = array<i32>} : memref<128x128xf32, #tpu.memory_space<vmem>>, vector<1x16xf32>,
      %swap3A_66 = vector.shape_cast %swap3A_65 : vector<1x16xf32> to vector<16xf32>
      %swap3A_67 = vector.shape_cast %broadcast_in_dim3A_62 : vector<16xf32> to vector<1x16xf32>
      tpu.vector_store %arg14[%swap3A_63, %swap3A_64], %swap3A_67 {strides = array<i32>} : memref<128x128xf32, #tpu.memory_space<vmem>>, vector<1x16xf32>,
      %broadcast_in_dim3A_68 = arith.constant 0.000000e+00 : f32
      %broadcast_in_dim3A_69 = vector.broadcast %broadcast_in_dim3A_68 : f32 to vector<16xf32>
      %swap3A_70 = arith.index_cast %scan3A_55 : i32 to index
      %swap3A_71 = arith.constant 32 : index
      %swap3A_72 = tpu.vector_load %arg14[%swap3A_70, %swap3A_71] {strides = array<i32>} : memref<128x128xf32, #tpu.memory_space<vmem>>, vector<1x16xf32>,
      %swap3A_73 = vector.shape_cast %swap3A_72 : vector<1x16xf32> to vector<16xf32>
      %swap3A_74 = vector.shape_cast %broadcast_in_dim3A_69 : vector<16xf32> to vector<1x16xf32>
      tpu.vector_store %arg14[%swap3A_70, %swap3A_71], %swap3A_74 {strides = array<i32>} : memref<128x128xf32, #tpu.memory_space<vmem>>, vector<1x16xf32>,
      %broadcast_in_dim3A_75 = arith.constant 0.000000e+00 : f32
      %broadcast_in_dim3A_76 = vector.broadcast %broadcast_in_dim3A_75 : f32 to vector<16xf32>
      %swap3A_77 = arith.index_cast %scan3A_55 : i32 to index
      %swap3A_78 = arith.constant 48 : index
      %swap3A_79 = tpu.vector_load %arg14[%swap3A_77, %swap3A_78] {strides = array<i32>} : memref<128x128xf32, #tpu.memory_space<vmem>>, vector<1x16xf32>,
      %swap3A_80 = vector.shape_cast %swap3A_79 : vector<1x16xf32> to vector<16xf32>
      %swap3A_81 = vector.shape_cast %broadcast_in_dim3A_76 : vector<16xf32> to vector<1x16xf32>
      tpu.vector_store %arg14[%swap3A_77, %swap3A_78], %swap3A_81 {strides = array<i32>} : memref<128x128xf32, #tpu.memory_space<vmem>>, vector<1x16xf32>,
      %broadcast_in_dim3A_82 = arith.constant 0.000000e+00 : f32
      %broadcast_in_dim3A_83 = vector.broadcast %broadcast_in_dim3A_82 : f32 to vector<16xf32>
      %swap3A_84 = arith.index_cast %scan3A_55 : i32 to index
      %swap3A_85 = arith.constant 64 : index
      %swap3A_86 = tpu.vector_load %arg14[%swap3A_84, %swap3A_85] {strides = array<i32>} : memref<128x128xf32, #tpu.memory_space<vmem>>, vector<1x16xf32>,
      %swap3A_87 = vector.shape_cast %swap3A_86 : vector<1x16xf32> to vector<16xf32>
      %swap3A_88 = vector.shape_cast %broadcast_in_dim3A_83 : vector<16xf32> to vector<1x16xf32>
      tpu.vector_store %arg14[%swap3A_84, %swap3A_85], %swap3A_88 {strides = array<i32>} : memref<128x128xf32, #tpu.memory_space<vmem>>, vector<1x16xf32>,
      %broadcast_in_dim3A_89 = arith.constant 0.000000e+00 : f32
      %broadcast_in_dim3A_90 = vector.broadcast %broadcast_in_dim3A_89 : f32 to vector<16xf32>
      %swap3A_91 = arith.index_cast %scan3A_55 : i32 to index
      %swap3A_92 = arith.constant 80 : index
      %swap3A_93 = tpu.vector_load %arg14[%swap3A_91, %swap3A_92] {strides = array<i32>} : memref<128x128xf32, #tpu.memory_space<vmem>>, vector<1x16xf32>,
      %swap3A_94 = vector.shape_cast %swap3A_93 : vector<1x16xf32> to vector<16xf32>
      %swap3A_95 = vector.shape_cast %broadcast_in_dim3A_90 : vector<16xf32> to vector<1x16xf32>
      tpu.vector_store %arg14[%swap3A_91, %swap3A_92], %swap3A_95 {strides = array<i32>} : memref<128x128xf32, #tpu.memory_space<vmem>>, vector<1x16xf32>,
      %broadcast_in_dim3A_96 = arith.constant 0.000000e+00 : f32
      %broadcast_in_dim3A_97 = vector.broadcast %broadcast_in_dim3A_96 : f32 to vector<16xf32>
      %swap3A_98 = arith.index_cast %scan3A_55 : i32 to index
      %swap3A_99 = arith.constant 96 : index
      %swap3A_100 = tpu.vector_load %arg14[%swap3A_98, %swap3A_99] {strides = array<i32>} : memref<128x128xf32, #tpu.memory_space<vmem>>, vector<1x16xf32>,
      %swap3A_101 = vector.shape_cast %swap3A_100 : vector<1x16xf32> to vector<16xf32>
      %swap3A_102 = vector.shape_cast %broadcast_in_dim3A_97 : vector<16xf32> to vector<1x16xf32>
      tpu.vector_store %arg14[%swap3A_98, %swap3A_99], %swap3A_102 {strides = array<i32>} : memref<128x128xf32, #tpu.memory_space<vmem>>, vector<1x16xf32>,
      %broadcast_in_dim3A_103 = arith.constant 0.000000e+00 : f32
      %broadcast_in_dim3A_104 = vector.broadcast %broadcast_in_dim3A_103 : f32 to vector<16xf32>
      %swap3A_105 = arith.index_cast %scan3A_55 : i32 to index
      %swap3A_106 = arith.constant 112 : index
      %swap3A_107 = tpu.vector_load %arg14[%swap3A_105, %swap3A_106] {strides = array<i32>} : memref<128x128xf32, #tpu.memory_space<vmem>>, vector<1x16xf32>,
      %swap3A_108 = vector.shape_cast %swap3A_107 : vector<1x16xf32> to vector<16xf32>
      %swap3A_109 = vector.shape_cast %broadcast_in_dim3A_104 : vector<16xf32> to vector<1x16xf32>
      tpu.vector_store %arg14[%swap3A_105, %swap3A_106], %swap3A_109 {strides = array<i32>} : memref<128x128xf32, #tpu.memory_space<vmem>>, vector<1x16xf32>,
    }
    %scan3A_7 = arith.constant 128 : i32
    %mul3A_8 = arith.constant 632 : i32
    %mul3A_9 = arith.muli %arg1, %mul3A_8 : i32
    %add3A_10 = arith.constant 0 : i32
    %add3A_11 = arith.addi %mul3A_9, %add3A_10 : i32
    "tpu.region"() ({
      %run_scoped3A = tpu.sem_alloc : memref<!tpu.dma_semaphore, #tpu.memory_space<semaphore_mem>>
      %dma_start3A = arith.constant 0 : i32
      %dma_start3A_55 = tpu.memref_slice %arg15[%add3A_11, %dma_start3A] : memref<10112x128xf32, #tpu.memory_space<vmem_shared>> -> memref<128x128xf32, #tpu.memory_space<vmem_shared>>
      %dma_start3A_56 = arith.constant 0 : i32
      %dma_start3A_57 = tpu.memref_slice %arg15[%add3A_11, %dma_start3A_56] : memref<10112x128xf32, #tpu.memory_space<vmem_shared>> -> memref<128x128xf32, #tpu.memory_space<vmem_shared>>
      tpu.enqueue_dma source(%arg14 : memref<128x128xf32, #tpu.memory_space<vmem>>) target(%dma_start3A_57 : memref<128x128xf32, #tpu.memory_space<vmem_shared>>) target_semaphore(%run_scoped3A : memref<!tpu.dma_semaphore, #tpu.memory_space<semaphore_mem>>)
      %dma_wait3A = arith.constant 0 : i32
      %dma_wait3A_58 = tpu.memref_slice %arg15[%add3A_11, %dma_wait3A] : memref<10112x128xf32, #tpu.memory_space<vmem_shared>> -> memref<128x128xf32, #tpu.memory_space<vmem_shared>>
      %dma_wait3A_59 = arith.constant 0 : i32
      %dma_wait3A_60 = tpu.memref_slice %arg15[%add3A_11, %dma_wait3A_59] : memref<10112x128xf32, #tpu.memory_space<vmem_shared>> -> memref<128x128xf32, #tpu.memory_space<vmem_shared>>
      tpu.wait_dma2 semaphore(%run_scoped3A : memref<!tpu.dma_semaphore, #tpu.memory_space<semaphore_mem>>) src(%arg14 : memref<128x128xf32, #tpu.memory_space<vmem>>) dst(%dma_wait3A_60 : memref<128x128xf32, #tpu.memory_space<vmem_shared>>)
      tpu.yield
    }) : () -> ()
    %mul3A_12 = arith.constant 632 : i32
    %mul3A_13 = arith.muli %arg1, %mul3A_12 : i32
    %add3A_14 = arith.constant 128 : i32
    %add3A_15 = arith.addi %mul3A_13, %add3A_14 : i32
    "tpu.region"() ({
      %run_scoped3A = tpu.sem_alloc : memref<!tpu.dma_semaphore, #tpu.memory_space<semaphore_mem>>
      %dma_start3A = arith.constant 0 : i32
      %dma_start3A_55 = tpu.memref_slice %arg15[%add3A_15, %dma_start3A] : memref<10112x128xf32, #tpu.memory_space<vmem_shared>> -> memref<128x128xf32, #tpu.memory_space<vmem_shared>>
      %dma_start3A_56 = arith.constant 0 : i32
      %dma_start3A_57 = tpu.memref_slice %arg15[%add3A_15, %dma_start3A_56] : memref<10112x128xf32, #tpu.memory_space<vmem_shared>> -> memref<128x128xf32, #tpu.memory_space<vmem_shared>>
      tpu.enqueue_dma source(%arg14 : memref<128x128xf32, #tpu.memory_space<vmem>>) target(%dma_start3A_57 : memref<128x128xf32, #tpu.memory_space<vmem_shared>>) target_semaphore(%run_scoped3A : memref<!tpu.dma_semaphore, #tpu.memory_space<semaphore_mem>>)
      %dma_wait3A = arith.constant 0 : i32
      %dma_wait3A_58 = tpu.memref_slice %arg15[%add3A_15, %dma_wait3A] : memref<10112x128xf32, #tpu.memory_space<vmem_shared>> -> memref<128x128xf32, #tpu.memory_space<vmem_shared>>
      %dma_wait3A_59 = arith.constant 0 : i32
      %dma_wait3A_60 = tpu.memref_slice %arg15[%add3A_15, %dma_wait3A_59] : memref<10112x128xf32, #tpu.memory_space<vmem_shared>> -> memref<128x128xf32, #tpu.memory_space<vmem_shared>>
      tpu.wait_dma2 semaphore(%run_scoped3A : memref<!tpu.dma_semaphore, #tpu.memory_space<semaphore_mem>>) src(%arg14 : memref<128x128xf32, #tpu.memory_space<vmem>>) dst(%dma_wait3A_60 : memref<128x128xf32, #tpu.memory_space<vmem_shared>>)
      tpu.yield
    }) : () -> ()
    %mul3A_16 = arith.constant 632 : i32
    %mul3A_17 = arith.muli %arg1, %mul3A_16 : i32
    %add3A_18 = arith.constant 256 : i32
    %add3A_19 = arith.addi %mul3A_17, %add3A_18 : i32
    "tpu.region"() ({
      %run_scoped3A = tpu.sem_alloc : memref<!tpu.dma_semaphore, #tpu.memory_space<semaphore_mem>>
      %dma_start3A = arith.constant 0 : i32
      %dma_start3A_55 = tpu.memref_slice %arg15[%add3A_19, %dma_start3A] : memref<10112x128xf32, #tpu.memory_space<vmem_shared>> -> memref<128x128xf32, #tpu.memory_space<vmem_shared>>
      %dma_start3A_56 = arith.constant 0 : i32
      %dma_start3A_57 = tpu.memref_slice %arg15[%add3A_19, %dma_start3A_56] : memref<10112x128xf32, #tpu.memory_space<vmem_shared>> -> memref<128x128xf32, #tpu.memory_space<vmem_shared>>
      tpu.enqueue_dma source(%arg14 : memref<128x128xf32, #tpu.memory_space<vmem>>) target(%dma_start3A_57 : memref<128x128xf32, #tpu.memory_space<vmem_shared>>) target_semaphore(%run_scoped3A : memref<!tpu.dma_semaphore, #tpu.memory_space<semaphore_mem>>)
      %dma_wait3A = arith.constant 0 : i32
      %dma_wait3A_58 = tpu.memref_slice %arg15[%add3A_19, %dma_wait3A] : memref<10112x128xf32, #tpu.memory_space<vmem_shared>> -> memref<128x128xf32, #tpu.memory_space<vmem_shared>>
      %dma_wait3A_59 = arith.constant 0 : i32
      %dma_wait3A_60 = tpu.memref_slice %arg15[%add3A_19, %dma_wait3A_59] : memref<10112x128xf32, #tpu.memory_space<vmem_shared>> -> memref<128x128xf32, #tpu.memory_space<vmem_shared>>
      tpu.wait_dma2 semaphore(%run_scoped3A : memref<!tpu.dma_semaphore, #tpu.memory_space<semaphore_mem>>) src(%arg14 : memref<128x128xf32, #tpu.memory_space<vmem>>) dst(%dma_wait3A_60 : memref<128x128xf32, #tpu.memory_space<vmem_shared>>)
      tpu.yield
    }) : () -> ()
    %mul3A_20 = arith.constant 632 : i32
    %mul3A_21 = arith.muli %arg1, %mul3A_20 : i32
    %add3A_22 = arith.constant 384 : i32
    %add3A_23 = arith.addi %mul3A_21, %add3A_22 : i32
    "tpu.region"() ({
      %run_scoped3A = tpu.sem_alloc : memref<!tpu.dma_semaphore, #tpu.memory_space<semaphore_mem>>
      %dma_start3A = arith.constant 0 : i32
      %dma_start3A_55 = tpu.memref_slice %arg15[%add3A_23, %dma_start3A] : memref<10112x128xf32, #tpu.memory_space<vmem_shared>> -> memref<128x128xf32, #tpu.memory_space<vmem_shared>>
      %dma_start3A_56 = arith.constant 0 : i32
      %dma_start3A_57 = tpu.memref_slice %arg15[%add3A_23, %dma_start3A_56] : memref<10112x128xf32, #tpu.memory_space<vmem_shared>> -> memref<128x128xf32, #tpu.memory_space<vmem_shared>>
      tpu.enqueue_dma source(%arg14 : memref<128x128xf32, #tpu.memory_space<vmem>>) target(%dma_start3A_57 : memref<128x128xf32, #tpu.memory_space<vmem_shared>>) target_semaphore(%run_scoped3A : memref<!tpu.dma_semaphore, #tpu.memory_space<semaphore_mem>>)
      %dma_wait3A = arith.constant 0 : i32
      %dma_wait3A_58 = tpu.memref_slice %arg15[%add3A_23, %dma_wait3A] : memref<10112x128xf32, #tpu.memory_space<vmem_shared>> -> memref<128x128xf32, #tpu.memory_space<vmem_shared>>
      %dma_wait3A_59 = arith.constant 0 : i32
      %dma_wait3A_60 = tpu.memref_slice %arg15[%add3A_23, %dma_wait3A_59] : memref<10112x128xf32, #tpu.memory_space<vmem_shared>> -> memref<128x128xf32, #tpu.memory_space<vmem_shared>>
      tpu.wait_dma2 semaphore(%run_scoped3A : memref<!tpu.dma_semaphore, #tpu.memory_space<semaphore_mem>>) src(%arg14 : memref<128x128xf32, #tpu.memory_space<vmem>>) dst(%dma_wait3A_60 : memref<128x128xf32, #tpu.memory_space<vmem_shared>>)
      tpu.yield
    }) : () -> ()
    %mul3A_24 = arith.constant 632 : i32
    %mul3A_25 = arith.muli %arg1, %mul3A_24 : i32
    %add3A_26 = arith.constant 512 : i32
    %add3A_27 = arith.addi %mul3A_25, %add3A_26 : i32
    "tpu.region"() ({
      %run_scoped3A = tpu.sem_alloc : memref<!tpu.dma_semaphore, #tpu.memory_space<semaphore_mem>>
      %dma_start3A = arith.constant 0 : i32
      %dma_start3A_55 = arith.constant 0 : i32
      %dma_start3A_56 = tpu.memref_slice %arg14[%dma_start3A, %dma_start3A_55] : memref<128x128xf32, #tpu.memory_space<vmem>> -> memref<120x128xf32, #tpu.memory_space<vmem>>
      %dma_start3A_57 = arith.constant 0 : i32
      %dma_start3A_58 = tpu.memref_slice %arg15[%add3A_27, %dma_start3A_57] : memref<10112x128xf32, #tpu.memory_space<vmem_shared>> -> memref<120x128xf32, #tpu.memory_space<vmem_shared>>
      %dma_start3A_59 = arith.constant 0 : i32
      %dma_start3A_60 = tpu.memref_slice %arg15[%add3A_27, %dma_start3A_59] : memref<10112x128xf32, #tpu.memory_space<vmem_shared>> -> memref<120x128xf32, #tpu.memory_space<vmem_shared>>
      %dma_start3A_61 = arith.constant 0 : i32
      %dma_start3A_62 = arith.constant 0 : i32
      %dma_start3A_63 = tpu.memref_slice %arg14[%dma_start3A_61, %dma_start3A_62] : memref<128x128xf32, #tpu.memory_space<vmem>> -> memref<120x128xf32, #tpu.memory_space<vmem>>
      tpu.enqueue_dma source(%dma_start3A_63 : memref<120x128xf32, #tpu.memory_space<vmem>>) target(%dma_start3A_60 : memref<120x128xf32, #tpu.memory_space<vmem_shared>>) target_semaphore(%run_scoped3A : memref<!tpu.dma_semaphore, #tpu.memory_space<semaphore_mem>>)
      %dma_wait3A = arith.constant 0 : i32
      %dma_wait3A_64 = arith.constant 0 : i32
      %dma_wait3A_65 = tpu.memref_slice %arg14[%dma_wait3A, %dma_wait3A_64] : memref<128x128xf32, #tpu.memory_space<vmem>> -> memref<120x128xf32, #tpu.memory_space<vmem>>
      %dma_wait3A_66 = arith.constant 0 : i32
      %dma_wait3A_67 = tpu.memref_slice %arg15[%add3A_27, %dma_wait3A_66] : memref<10112x128xf32, #tpu.memory_space<vmem_shared>> -> memref<120x128xf32, #tpu.memory_space<vmem_shared>>
      %dma_wait3A_68 = arith.constant 0 : i32
      %dma_wait3A_69 = tpu.memref_slice %arg15[%add3A_27, %dma_wait3A_68] : memref<10112x128xf32, #tpu.memory_space<vmem_shared>> -> memref<120x128xf32, #tpu.memory_space<vmem_shared>>
      %dma_wait3A_70 = arith.constant 0 : i32
      %dma_wait3A_71 = arith.constant 0 : i32
      %dma_wait3A_72 = tpu.memref_slice %arg14[%dma_wait3A_70, %dma_wait3A_71] : memref<128x128xf32, #tpu.memory_space<vmem>> -> memref<120x128xf32, #tpu.memory_space<vmem>>
      tpu.wait_dma2 semaphore(%run_scoped3A : memref<!tpu.dma_semaphore, #tpu.memory_space<semaphore_mem>>) src(%dma_wait3A_72 : memref<120x128xf32, #tpu.memory_space<vmem>>) dst(%dma_wait3A_69 : memref<120x128xf32, #tpu.memory_space<vmem_shared>>)
      tpu.yield
    }) : () -> ()
    %barrier3A = arith.constant 0 : index
    tpu.barrier barrier_id(%barrier3A)
    %scan3A_28 = arith.constant 0 : i32
    %scan3A_29 = arith.constant 0 : i32
    %scan3A_30 = arith.constant 40 : i32
    %scan3A_31 = arith.addi %scan3A_29, %scan3A_30 : i32
    %scan3A_32 = arith.constant 1 : i32
    scf.for %scan3A_55 = %scan3A_29 to %scan3A_31 step %scan3A_32  : i32 {
      %mul3A_56 = arith.constant 2 : i32
      %mul3A_57 = arith.muli %scan3A_55, %mul3A_56 : i32
      %add3A_58 = arith.constant 0 : i32
      %add3A_59 = arith.addi %mul3A_57, %add3A_58 : i32
      %mul3A_60 = arith.constant 128 : i32
      %mul3A_61 = arith.muli %add3A_59, %mul3A_60 : i32
      %add3A_62 = arith.addi %mul3A_2, %mul3A_61 : i32
      %dma_start3A = tpu.memref_slice %arg2[%add3A_62] : memref<327680xi32, #tpu.memory_space<hbm>> -> memref<128xi32, #tpu.memory_space<hbm>>
      %dma_start3A_63 = tpu.memref_slice %arg2[%add3A_62] : memref<327680xi32, #tpu.memory_space<hbm>> -> memref<128xi32, #tpu.memory_space<hbm>>
      tpu.enqueue_dma source(%dma_start3A_63 : memref<128xi32, #tpu.memory_space<hbm>>) target(%arg6 : memref<128xi32, #tpu.memory_space<vmem>>) target_semaphore(%arg16 : memref<!tpu.dma_semaphore, #tpu.memory_space<semaphore_mem>>)
      %mul3A_64 = arith.constant 2 : i32
      %mul3A_65 = arith.muli %scan3A_55, %mul3A_64 : i32
      %add3A_66 = arith.constant 1 : i32
      %add3A_67 = arith.addi %mul3A_65, %add3A_66 : i32
      %mul3A_68 = arith.constant 128 : i32
      %mul3A_69 = arith.muli %add3A_67, %mul3A_68 : i32
      %add3A_70 = arith.addi %mul3A_2, %mul3A_69 : i32
      %dma_start3A_71 = tpu.memref_slice %arg2[%add3A_70] : memref<327680xi32, #tpu.memory_space<hbm>> -> memref<128xi32, #tpu.memory_space<hbm>>
      %dma_start3A_72 = tpu.memref_slice %arg2[%add3A_70] : memref<327680xi32, #tpu.memory_space<hbm>> -> memref<128xi32, #tpu.memory_space<hbm>>
      tpu.enqueue_dma source(%dma_start3A_72 : memref<128xi32, #tpu.memory_space<hbm>>) target(%arg7 : memref<128xi32, #tpu.memory_space<vmem>>) target_semaphore(%arg17 : memref<!tpu.dma_semaphore, #tpu.memory_space<semaphore_mem>>)
      %dma_wait3A = tpu.memref_slice %arg2[%add3A_62] : memref<327680xi32, #tpu.memory_space<hbm>> -> memref<128xi32, #tpu.memory_space<hbm>>
      %dma_wait3A_73 = tpu.memref_slice %arg2[%add3A_62] : memref<327680xi32, #tpu.memory_space<hbm>> -> memref<128xi32, #tpu.memory_space<hbm>>
      tpu.wait_dma2 semaphore(%arg16 : memref<!tpu.dma_semaphore, #tpu.memory_space<semaphore_mem>>) src(%dma_wait3A_73 : memref<128xi32, #tpu.memory_space<hbm>>) dst(%arg6 : memref<128xi32, #tpu.memory_space<vmem>>)
      %get3A = arith.constant 0 : index
      %get3A_74 = tpu.vector_load %arg6[%get3A] {strides = array<i32>} : memref<128xi32, #tpu.memory_space<vmem>>, vector<16xi32>,
      %get3A_75 = vector.shape_cast %get3A_74 : vector<16xi32> to vector<16xi32>
      %and3A = arith.constant 16383 : i32
      %and3A_76 = vector.broadcast %and3A : i32 to vector<16xi32>
      %and3A_77 = arith.andi %get3A_75, %and3A_76 : vector<16xi32>
      %swap3A = arith.constant 0 : index
      %swap3A_78 = tpu.vector_load %arg8[%swap3A] {strides = array<i32>} : memref<128xi32, #tpu.memory_space<vmem>>, vector<16xi32>,
      %swap3A_79 = vector.shape_cast %swap3A_78 : vector<16xi32> to vector<16xi32>
      %swap3A_80 = vector.shape_cast %and3A_77 : vector<16xi32> to vector<16xi32>
      tpu.vector_store %arg8[%swap3A], %swap3A_80 {strides = array<i32>} : memref<128xi32, #tpu.memory_space<vmem>>, vector<16xi32>,
      %shift_right_logical3A = arith.constant 14 : i32
      %shift_right_logical3A_81 = vector.broadcast %shift_right_logical3A : i32 to vector<16xi32>
      %shift_right_logical3A_82 = arith.shrui %get3A_75, %shift_right_logical3A_81 : vector<16xi32>
      %swap3A_83 = arith.constant 0 : index
      %swap3A_84 = tpu.vector_load %arg10[%swap3A_83] {strides = array<i32>} : memref<128xi32, #tpu.memory_space<vmem>>, vector<16xi32>,
      %swap3A_85 = vector.shape_cast %swap3A_84 : vector<16xi32> to vector<16xi32>
      %swap3A_86 = vector.shape_cast %shift_right_logical3A_82 : vector<16xi32> to vector<16xi32>
      tpu.vector_store %arg10[%swap3A_83], %swap3A_86 {strides = array<i32>} : memref<128xi32, #tpu.memory_space<vmem>>, vector<16xi32>,
      %get3A_87 = arith.constant 16 : index
      %get3A_88 = tpu.vector_load %arg6[%get3A_87] {strides = array<i32>} : memref<128xi32, #tpu.memory_space<vmem>>, vector<16xi32>,
      %get3A_89 = vector.shape_cast %get3A_88 : vector<16xi32> to vector<16xi32>
      %and3A_90 = arith.constant 16383 : i32
      %and3A_91 = vector.broadcast %and3A_90 : i32 to vector<16xi32>
      %and3A_92 = arith.andi %get3A_89, %and3A_91 : vector<16xi32>
      %swap3A_93 = arith.constant 16 : index
      %swap3A_94 = tpu.vector_load %arg8[%swap3A_93] {strides = array<i32>} : memref<128xi32, #tpu.memory_space<vmem>>, vector<16xi32>,
      %swap3A_95 = vector.shape_cast %swap3A_94 : vector<16xi32> to vector<16xi32>
      %swap3A_96 = vector.shape_cast %and3A_92 : vector<16xi32> to vector<16xi32>
      tpu.vector_store %arg8[%swap3A_93], %swap3A_96 {strides = array<i32>} : memref<128xi32, #tpu.memory_space<vmem>>, vector<16xi32>,
      %shift_right_logical3A_97 = arith.constant 14 : i32
      %shift_right_logical3A_98 = vector.broadcast %shift_right_logical3A_97 : i32 to vector<16xi32>
      %shift_right_logical3A_99 = arith.shrui %get3A_89, %shift_right_logical3A_98 : vector<16xi32>
      %swap3A_100 = arith.constant 16 : index
      %swap3A_101 = tpu.vector_load %arg10[%swap3A_100] {strides = array<i32>} : memref<128xi32, #tpu.memory_space<vmem>>, vector<16xi32>,
      %swap3A_102 = vector.shape_cast %swap3A_101 : vector<16xi32> to vector<16xi32>
      %swap3A_103 = vector.shape_cast %shift_right_logical3A_99 : vector<16xi32> to vector<16xi32>
      tpu.vector_store %arg10[%swap3A_100], %swap3A_103 {strides = array<i32>} : memref<128xi32, #tpu.memory_space<vmem>>, vector<16xi32>,
      %get3A_104 = arith.constant 32 : index
      %get3A_105 = tpu.vector_load %arg6[%get3A_104] {strides = array<i32>} : memref<128xi32, #tpu.memory_space<vmem>>, vector<16xi32>,
      %get3A_106 = vector.shape_cast %get3A_105 : vector<16xi32> to vector<16xi32>
      %and3A_107 = arith.constant 16383 : i32
      %and3A_108 = vector.broadcast %and3A_107 : i32 to vector<16xi32>
      %and3A_109 = arith.andi %get3A_106, %and3A_108 : vector<16xi32>
      %swap3A_110 = arith.constant 32 : index
      %swap3A_111 = tpu.vector_load %arg8[%swap3A_110] {strides = array<i32>} : memref<128xi32, #tpu.memory_space<vmem>>, vector<16xi32>,
      %swap3A_112 = vector.shape_cast %swap3A_111 : vector<16xi32> to vector<16xi32>
      %swap3A_113 = vector.shape_cast %and3A_109 : vector<16xi32> to vector<16xi32>
      tpu.vector_store %arg8[%swap3A_110], %swap3A_113 {strides = array<i32>} : memref<128xi32, #tpu.memory_space<vmem>>, vector<16xi32>,
      %shift_right_logical3A_114 = arith.constant 14 : i32
      %shift_right_logical3A_115 = vector.broadcast %shift_right_logical3A_114 : i32 to vector<16xi32>
      %shift_right_logical3A_116 = arith.shrui %get3A_106, %shift_right_logical3A_115 : vector<16xi32>
      %swap3A_117 = arith.constant 32 : index
      %swap3A_118 = tpu.vector_load %arg10[%swap3A_117] {strides = array<i32>} : memref<128xi32, #tpu.memory_space<vmem>>, vector<16xi32>,
      %swap3A_119 = vector.shape_cast %swap3A_118 : vector<16xi32> to vector<16xi32>
      %swap3A_120 = vector.shape_cast %shift_right_logical3A_116 : vector<16xi32> to vector<16xi32>
      tpu.vector_store %arg10[%swap3A_117], %swap3A_120 {strides = array<i32>} : memref<128xi32, #tpu.memory_space<vmem>>, vector<16xi32>,
      %get3A_121 = arith.constant 48 : index
      %get3A_122 = tpu.vector_load %arg6[%get3A_121] {strides = array<i32>} : memref<128xi32, #tpu.memory_space<vmem>>, vector<16xi32>,
      %get3A_123 = vector.shape_cast %get3A_122 : vector<16xi32> to vector<16xi32>
      %and3A_124 = arith.constant 16383 : i32
      %and3A_125 = vector.broadcast %and3A_124 : i32 to vector<16xi32>
      %and3A_126 = arith.andi %get3A_123, %and3A_125 : vector<16xi32>
      %swap3A_127 = arith.constant 48 : index
      %swap3A_128 = tpu.vector_load %arg8[%swap3A_127] {strides = array<i32>} : memref<128xi32, #tpu.memory_space<vmem>>, vector<16xi32>,
      %swap3A_129 = vector.shape_cast %swap3A_128 : vector<16xi32> to vector<16xi32>
      %swap3A_130 = vector.shape_cast %and3A_126 : vector<16xi32> to vector<16xi32>
      tpu.vector_store %arg8[%swap3A_127], %swap3A_130 {strides = array<i32>} : memref<128xi32, #tpu.memory_space<vmem>>, vector<16xi32>,
      %shift_right_logical3A_131 = arith.constant 14 : i32
      %shift_right_logical3A_132 = vector.broadcast %shift_right_logical3A_131 : i32 to vector<16xi32>
      %shift_right_logical3A_133 = arith.shrui %get3A_123, %shift_right_logical3A_132 : vector<16xi32>
      %swap3A_134 = arith.constant 48 : index
      %swap3A_135 = tpu.vector_load %arg10[%swap3A_134] {strides = array<i32>} : memref<128xi32, #tpu.memory_space<vmem>>, vector<16xi32>,
      %swap3A_136 = vector.shape_cast %swap3A_135 : vector<16xi32> to vector<16xi32>
      %swap3A_137 = vector.shape_cast %shift_right_logical3A_133 : vector<16xi32> to vector<16xi32>
      tpu.vector_store %arg10[%swap3A_134], %swap3A_137 {strides = array<i32>} : memref<128xi32, #tpu.memory_space<vmem>>, vector<16xi32>,
      %get3A_138 = arith.constant 64 : index
      %get3A_139 = tpu.vector_load %arg6[%get3A_138] {strides = array<i32>} : memref<128xi32, #tpu.memory_space<vmem>>, vector<16xi32>,
      %get3A_140 = vector.shape_cast %get3A_139 : vector<16xi32> to vector<16xi32>
      %and3A_141 = arith.constant 16383 : i32
      %and3A_142 = vector.broadcast %and3A_141 : i32 to vector<16xi32>
      %and3A_143 = arith.andi %get3A_140, %and3A_142 : vector<16xi32>
      %swap3A_144 = arith.constant 64 : index
      %swap3A_145 = tpu.vector_load %arg8[%swap3A_144] {strides = array<i32>} : memref<128xi32, #tpu.memory_space<vmem>>, vector<16xi32>,
      %swap3A_146 = vector.shape_cast %swap3A_145 : vector<16xi32> to vector<16xi32>
      %swap3A_147 = vector.shape_cast %and3A_143 : vector<16xi32> to vector<16xi32>
      tpu.vector_store %arg8[%swap3A_144], %swap3A_147 {strides = array<i32>} : memref<128xi32, #tpu.memory_space<vmem>>, vector<16xi32>,
      %shift_right_logical3A_148 = arith.constant 14 : i32
      %shift_right_logical3A_149 = vector.broadcast %shift_right_logical3A_148 : i32 to vector<16xi32>
      %shift_right_logical3A_150 = arith.shrui %get3A_140, %shift_right_logical3A_149 : vector<16xi32>
      %swap3A_151 = arith.constant 64 : index
      %swap3A_152 = tpu.vector_load %arg10[%swap3A_151] {strides = array<i32>} : memref<128xi32, #tpu.memory_space<vmem>>, vector<16xi32>,
      %swap3A_153 = vector.shape_cast %swap3A_152 : vector<16xi32> to vector<16xi32>
      %swap3A_154 = vector.shape_cast %shift_right_logical3A_150 : vector<16xi32> to vector<16xi32>
      tpu.vector_store %arg10[%swap3A_151], %swap3A_154 {strides = array<i32>} : memref<128xi32, #tpu.memory_space<vmem>>, vector<16xi32>,
      %get3A_155 = arith.constant 80 : index
      %get3A_156 = tpu.vector_load %arg6[%get3A_155] {strides = array<i32>} : memref<128xi32, #tpu.memory_space<vmem>>, vector<16xi32>,
      %get3A_157 = vector.shape_cast %get3A_156 : vector<16xi32> to vector<16xi32>
      %and3A_158 = arith.constant 16383 : i32
      %and3A_159 = vector.broadcast %and3A_158 : i32 to vector<16xi32>
      %and3A_160 = arith.andi %get3A_157, %and3A_159 : vector<16xi32>
      %swap3A_161 = arith.constant 80 : index
      %swap3A_162 = tpu.vector_load %arg8[%swap3A_161] {strides = array<i32>} : memref<128xi32, #tpu.memory_space<vmem>>, vector<16xi32>,
      %swap3A_163 = vector.shape_cast %swap3A_162 : vector<16xi32> to vector<16xi32>
      %swap3A_164 = vector.shape_cast %and3A_160 : vector<16xi32> to vector<16xi32>
      tpu.vector_store %arg8[%swap3A_161], %swap3A_164 {strides = array<i32>} : memref<128xi32, #tpu.memory_space<vmem>>, vector<16xi32>,
      %shift_right_logical3A_165 = arith.constant 14 : i32
      %shift_right_logical3A_166 = vector.broadcast %shift_right_logical3A_165 : i32 to vector<16xi32>
      %shift_right_logical3A_167 = arith.shrui %get3A_157, %shift_right_logical3A_166 : vector<16xi32>
      %swap3A_168 = arith.constant 80 : index
      %swap3A_169 = tpu.vector_load %arg10[%swap3A_168] {strides = array<i32>} : memref<128xi32, #tpu.memory_space<vmem>>, vector<16xi32>,
      %swap3A_170 = vector.shape_cast %swap3A_169 : vector<16xi32> to vector<16xi32>
      %swap3A_171 = vector.shape_cast %shift_right_logical3A_167 : vector<16xi32> to vector<16xi32>
      tpu.vector_store %arg10[%swap3A_168], %swap3A_171 {strides = array<i32>} : memref<128xi32, #tpu.memory_space<vmem>>, vector<16xi32>,
      %get3A_172 = arith.constant 96 : index
      %get3A_173 = tpu.vector_load %arg6[%get3A_172] {strides = array<i32>} : memref<128xi32, #tpu.memory_space<vmem>>, vector<16xi32>,
      %get3A_174 = vector.shape_cast %get3A_173 : vector<16xi32> to vector<16xi32>
      %and3A_175 = arith.constant 16383 : i32
      %and3A_176 = vector.broadcast %and3A_175 : i32 to vector<16xi32>
      %and3A_177 = arith.andi %get3A_174, %and3A_176 : vector<16xi32>
      %swap3A_178 = arith.constant 96 : index
      %swap3A_179 = tpu.vector_load %arg8[%swap3A_178] {strides = array<i32>} : memref<128xi32, #tpu.memory_space<vmem>>, vector<16xi32>,
      %swap3A_180 = vector.shape_cast %swap3A_179 : vector<16xi32> to vector<16xi32>
      %swap3A_181 = vector.shape_cast %and3A_177 : vector<16xi32> to vector<16xi32>
      tpu.vector_store %arg8[%swap3A_178], %swap3A_181 {strides = array<i32>} : memref<128xi32, #tpu.memory_space<vmem>>, vector<16xi32>,
      %shift_right_logical3A_182 = arith.constant 14 : i32
      %shift_right_logical3A_183 = vector.broadcast %shift_right_logical3A_182 : i32 to vector<16xi32>
      %shift_right_logical3A_184 = arith.shrui %get3A_174, %shift_right_logical3A_183 : vector<16xi32>
      %swap3A_185 = arith.constant 96 : index
      %swap3A_186 = tpu.vector_load %arg10[%swap3A_185] {strides = array<i32>} : memref<128xi32, #tpu.memory_space<vmem>>, vector<16xi32>,
      %swap3A_187 = vector.shape_cast %swap3A_186 : vector<16xi32> to vector<16xi32>
      %swap3A_188 = vector.shape_cast %shift_right_logical3A_184 : vector<16xi32> to vector<16xi32>
      tpu.vector_store %arg10[%swap3A_185], %swap3A_188 {strides = array<i32>} : memref<128xi32, #tpu.memory_space<vmem>>, vector<16xi32>,
      %get3A_189 = arith.constant 112 : index
      %get3A_190 = tpu.vector_load %arg6[%get3A_189] {strides = array<i32>} : memref<128xi32, #tpu.memory_space<vmem>>, vector<16xi32>,
      %get3A_191 = vector.shape_cast %get3A_190 : vector<16xi32> to vector<16xi32>
      %and3A_192 = arith.constant 16383 : i32
      %and3A_193 = vector.broadcast %and3A_192 : i32 to vector<16xi32>
      %and3A_194 = arith.andi %get3A_191, %and3A_193 : vector<16xi32>
      %swap3A_195 = arith.constant 112 : index
      %swap3A_196 = tpu.vector_load %arg8[%swap3A_195] {strides = array<i32>} : memref<128xi32, #tpu.memory_space<vmem>>, vector<16xi32>,
      %swap3A_197 = vector.shape_cast %swap3A_196 : vector<16xi32> to vector<16xi32>
      %swap3A_198 = vector.shape_cast %and3A_194 : vector<16xi32> to vector<16xi32>
      tpu.vector_store %arg8[%swap3A_195], %swap3A_198 {strides = array<i32>} : memref<128xi32, #tpu.memory_space<vmem>>, vector<16xi32>,
      %shift_right_logical3A_199 = arith.constant 14 : i32
      %shift_right_logical3A_200 = vector.broadcast %shift_right_logical3A_199 : i32 to vector<16xi32>
      %shift_right_logical3A_201 = arith.shrui %get3A_191, %shift_right_logical3A_200 : vector<16xi32>
      %swap3A_202 = arith.constant 112 : index
      %swap3A_203 = tpu.vector_load %arg10[%swap3A_202] {strides = array<i32>} : memref<128xi32, #tpu.memory_space<vmem>>, vector<16xi32>,
      %swap3A_204 = vector.shape_cast %swap3A_203 : vector<16xi32> to vector<16xi32>
      %swap3A_205 = vector.shape_cast %shift_right_logical3A_201 : vector<16xi32> to vector<16xi32>
      tpu.vector_store %arg10[%swap3A_202], %swap3A_205 {strides = array<i32>} : memref<128xi32, #tpu.memory_space<vmem>>, vector<16xi32>,
      %dma_start3A_206 = arith.constant 0 : i32
      %dma_start3A_207 = arith.constant 0 : i32
      %dma_start3A_208 = tpu.memref_slice %arg3[%dma_start3A_206, %dma_start3A_207] : memref<10000x128xf32, #tpu.memory_space<hbm>> -> memref<10000x128xf32, #tpu.memory_space<hbm>>
      tpu.enqueue_indirect_dma source(%dma_start3A_208 : memref<10000x128xf32, #tpu.memory_space<hbm>>) target(%arg12 : memref<128x128xf32, #tpu.memory_space<vmem>>) offsets(%arg8 : memref<128xi32, #tpu.memory_space<vmem>>) semaphore(%arg18 : memref<!tpu.dma_semaphore, #tpu.memory_space<semaphore_mem>>)
      %dma_wait3A_209 = tpu.memref_slice %arg2[%add3A_70] : memref<327680xi32, #tpu.memory_space<hbm>> -> memref<128xi32, #tpu.memory_space<hbm>>
      %dma_wait3A_210 = tpu.memref_slice %arg2[%add3A_70] : memref<327680xi32, #tpu.memory_space<hbm>> -> memref<128xi32, #tpu.memory_space<hbm>>
      tpu.wait_dma2 semaphore(%arg17 : memref<!tpu.dma_semaphore, #tpu.memory_space<semaphore_mem>>) src(%dma_wait3A_210 : memref<128xi32, #tpu.memory_space<hbm>>) dst(%arg7 : memref<128xi32, #tpu.memory_space<vmem>>)
      %get3A_211 = arith.constant 0 : index
      %get3A_212 = tpu.vector_load %arg7[%get3A_211] {strides = array<i32>} : memref<128xi32, #tpu.memory_space<vmem>>, vector<16xi32>,
      %get3A_213 = vector.shape_cast %get3A_212 : vector<16xi32> to vector<16xi32>
      %and3A_214 = arith.constant 16383 : i32
      %and3A_215 = vector.broadcast %and3A_214 : i32 to vector<16xi32>
      %and3A_216 = arith.andi %get3A_213, %and3A_215 : vector<16xi32>
      %swap3A_217 = arith.constant 0 : index
      %swap3A_218 = tpu.vector_load %arg9[%swap3A_217] {strides = array<i32>} : memref<128xi32, #tpu.memory_space<vmem>>, vector<16xi32>,
      %swap3A_219 = vector.shape_cast %swap3A_218 : vector<16xi32> to vector<16xi32>
      %swap3A_220 = vector.shape_cast %and3A_216 : vector<16xi32> to vector<16xi32>
      tpu.vector_store %arg9[%swap3A_217], %swap3A_220 {strides = array<i32>} : memref<128xi32, #tpu.memory_space<vmem>>, vector<16xi32>,
      %shift_right_logical3A_221 = arith.constant 14 : i32
      %shift_right_logical3A_222 = vector.broadcast %shift_right_logical3A_221 : i32 to vector<16xi32>
      %shift_right_logical3A_223 = arith.shrui %get3A_213, %shift_right_logical3A_222 : vector<16xi32>
      %swap3A_224 = arith.constant 0 : index
      %swap3A_225 = tpu.vector_load %arg11[%swap3A_224] {strides = array<i32>} : memref<128xi32, #tpu.memory_space<vmem>>, vector<16xi32>,
      %swap3A_226 = vector.shape_cast %swap3A_225 : vector<16xi32> to vector<16xi32>
      %swap3A_227 = vector.shape_cast %shift_right_logical3A_223 : vector<16xi32> to vector<16xi32>
      tpu.vector_store %arg11[%swap3A_224], %swap3A_227 {strides = array<i32>} : memref<128xi32, #tpu.memory_space<vmem>>, vector<16xi32>,
      %get3A_228 = arith.constant 16 : index
      %get3A_229 = tpu.vector_load %arg7[%get3A_228] {strides = array<i32>} : memref<128xi32, #tpu.memory_space<vmem>>, vector<16xi32>,
      %get3A_230 = vector.shape_cast %get3A_229 : vector<16xi32> to vector<16xi32>
      %and3A_231 = arith.constant 16383 : i32
      %and3A_232 = vector.broadcast %and3A_231 : i32 to vector<16xi32>
      %and3A_233 = arith.andi %get3A_230, %and3A_232 : vector<16xi32>
      %swap3A_234 = arith.constant 16 : index
      %swap3A_235 = tpu.vector_load %arg9[%swap3A_234] {strides = array<i32>} : memref<128xi32, #tpu.memory_space<vmem>>, vector<16xi32>,
      %swap3A_236 = vector.shape_cast %swap3A_235 : vector<16xi32> to vector<16xi32>
      %swap3A_237 = vector.shape_cast %and3A_233 : vector<16xi32> to vector<16xi32>
      tpu.vector_store %arg9[%swap3A_234], %swap3A_237 {strides = array<i32>} : memref<128xi32, #tpu.memory_space<vmem>>, vector<16xi32>,
      %shift_right_logical3A_238 = arith.constant 14 : i32
      %shift_right_logical3A_239 = vector.broadcast %shift_right_logical3A_238 : i32 to vector<16xi32>
      %shift_right_logical3A_240 = arith.shrui %get3A_230, %shift_right_logical3A_239 : vector<16xi32>
      %swap3A_241 = arith.constant 16 : index
      %swap3A_242 = tpu.vector_load %arg11[%swap3A_241] {strides = array<i32>} : memref<128xi32, #tpu.memory_space<vmem>>, vector<16xi32>,
      %swap3A_243 = vector.shape_cast %swap3A_242 : vector<16xi32> to vector<16xi32>
      %swap3A_244 = vector.shape_cast %shift_right_logical3A_240 : vector<16xi32> to vector<16xi32>
      tpu.vector_store %arg11[%swap3A_241], %swap3A_244 {strides = array<i32>} : memref<128xi32, #tpu.memory_space<vmem>>, vector<16xi32>,
      %get3A_245 = arith.constant 32 : index
      %get3A_246 = tpu.vector_load %arg7[%get3A_245] {strides = array<i32>} : memref<128xi32, #tpu.memory_space<vmem>>, vector<16xi32>,
      %get3A_247 = vector.shape_cast %get3A_246 : vector<16xi32> to vector<16xi32>
      %and3A_248 = arith.constant 16383 : i32
      %and3A_249 = vector.broadcast %and3A_248 : i32 to vector<16xi32>
      %and3A_250 = arith.andi %get3A_247, %and3A_249 : vector<16xi32>
      %swap3A_251 = arith.constant 32 : index
      %swap3A_252 = tpu.vector_load %arg9[%swap3A_251] {strides = array<i32>} : memref<128xi32, #tpu.memory_space<vmem>>, vector<16xi32>,
      %swap3A_253 = vector.shape_cast %swap3A_252 : vector<16xi32> to vector<16xi32>
      %swap3A_254 = vector.shape_cast %and3A_250 : vector<16xi32> to vector<16xi32>
      tpu.vector_store %arg9[%swap3A_251], %swap3A_254 {strides = array<i32>} : memref<128xi32, #tpu.memory_space<vmem>>, vector<16xi32>,
      %shift_right_logical3A_255 = arith.constant 14 : i32
      %shift_right_logical3A_256 = vector.broadcast %shift_right_logical3A_255 : i32 to vector<16xi32>
      %shift_right_logical3A_257 = arith.shrui %get3A_247, %shift_right_logical3A_256 : vector<16xi32>
      %swap3A_258 = arith.constant 32 : index
      %swap3A_259 = tpu.vector_load %arg11[%swap3A_258] {strides = array<i32>} : memref<128xi32, #tpu.memory_space<vmem>>, vector<16xi32>,
      %swap3A_260 = vector.shape_cast %swap3A_259 : vector<16xi32> to vector<16xi32>
      %swap3A_261 = vector.shape_cast %shift_right_logical3A_257 : vector<16xi32> to vector<16xi32>
      tpu.vector_store %arg11[%swap3A_258], %swap3A_261 {strides = array<i32>} : memref<128xi32, #tpu.memory_space<vmem>>, vector<16xi32>,
      %get3A_262 = arith.constant 48 : index
      %get3A_263 = tpu.vector_load %arg7[%get3A_262] {strides = array<i32>} : memref<128xi32, #tpu.memory_space<vmem>>, vector<16xi32>,
      %get3A_264 = vector.shape_cast %get3A_263 : vector<16xi32> to vector<16xi32>
      %and3A_265 = arith.constant 16383 : i32
      %and3A_266 = vector.broadcast %and3A_265 : i32 to vector<16xi32>
      %and3A_267 = arith.andi %get3A_264, %and3A_266 : vector<16xi32>
      %swap3A_268 = arith.constant 48 : index
      %swap3A_269 = tpu.vector_load %arg9[%swap3A_268] {strides = array<i32>} : memref<128xi32, #tpu.memory_space<vmem>>, vector<16xi32>,
      %swap3A_270 = vector.shape_cast %swap3A_269 : vector<16xi32> to vector<16xi32>
      %swap3A_271 = vector.shape_cast %and3A_267 : vector<16xi32> to vector<16xi32>
      tpu.vector_store %arg9[%swap3A_268], %swap3A_271 {strides = array<i32>} : memref<128xi32, #tpu.memory_space<vmem>>, vector<16xi32>,
      %shift_right_logical3A_272 = arith.constant 14 : i32
      %shift_right_logical3A_273 = vector.broadcast %shift_right_logical3A_272 : i32 to vector<16xi32>
      %shift_right_logical3A_274 = arith.shrui %get3A_264, %shift_right_logical3A_273 : vector<16xi32>
      %swap3A_275 = arith.constant 48 : index
      %swap3A_276 = tpu.vector_load %arg11[%swap3A_275] {strides = array<i32>} : memref<128xi32, #tpu.memory_space<vmem>>, vector<16xi32>,
      %swap3A_277 = vector.shape_cast %swap3A_276 : vector<16xi32> to vector<16xi32>
      %swap3A_278 = vector.shape_cast %shift_right_logical3A_274 : vector<16xi32> to vector<16xi32>
      tpu.vector_store %arg11[%swap3A_275], %swap3A_278 {strides = array<i32>} : memref<128xi32, #tpu.memory_space<vmem>>, vector<16xi32>,
      %get3A_279 = arith.constant 64 : index
      %get3A_280 = tpu.vector_load %arg7[%get3A_279] {strides = array<i32>} : memref<128xi32, #tpu.memory_space<vmem>>, vector<16xi32>,
      %get3A_281 = vector.shape_cast %get3A_280 : vector<16xi32> to vector<16xi32>
      %and3A_282 = arith.constant 16383 : i32
      %and3A_283 = vector.broadcast %and3A_282 : i32 to vector<16xi32>
      %and3A_284 = arith.andi %get3A_281, %and3A_283 : vector<16xi32>
      %swap3A_285 = arith.constant 64 : index
      %swap3A_286 = tpu.vector_load %arg9[%swap3A_285] {strides = array<i32>} : memref<128xi32, #tpu.memory_space<vmem>>, vector<16xi32>,
      %swap3A_287 = vector.shape_cast %swap3A_286 : vector<16xi32> to vector<16xi32>
      %swap3A_288 = vector.shape_cast %and3A_284 : vector<16xi32> to vector<16xi32>
      tpu.vector_store %arg9[%swap3A_285], %swap3A_288 {strides = array<i32>} : memref<128xi32, #tpu.memory_space<vmem>>, vector<16xi32>,
      %shift_right_logical3A_289 = arith.constant 14 : i32
      %shift_right_logical3A_290 = vector.broadcast %shift_right_logical3A_289 : i32 to vector<16xi32>
      %shift_right_logical3A_291 = arith.shrui %get3A_281, %shift_right_logical3A_290 : vector<16xi32>
      %swap3A_292 = arith.constant 64 : index
      %swap3A_293 = tpu.vector_load %arg11[%swap3A_292] {strides = array<i32>} : memref<128xi32, #tpu.memory_space<vmem>>, vector<16xi32>,
      %swap3A_294 = vector.shape_cast %swap3A_293 : vector<16xi32> to vector<16xi32>
      %swap3A_295 = vector.shape_cast %shift_right_logical3A_291 : vector<16xi32> to vector<16xi32>
      tpu.vector_store %arg11[%swap3A_292], %swap3A_295 {strides = array<i32>} : memref<128xi32, #tpu.memory_space<vmem>>, vector<16xi32>,
      %get3A_296 = arith.constant 80 : index
      %get3A_297 = tpu.vector_load %arg7[%get3A_296] {strides = array<i32>} : memref<128xi32, #tpu.memory_space<vmem>>, vector<16xi32>,
      %get3A_298 = vector.shape_cast %get3A_297 : vector<16xi32> to vector<16xi32>
      %and3A_299 = arith.constant 16383 : i32
      %and3A_300 = vector.broadcast %and3A_299 : i32 to vector<16xi32>
      %and3A_301 = arith.andi %get3A_298, %and3A_300 : vector<16xi32>
      %swap3A_302 = arith.constant 80 : index
      %swap3A_303 = tpu.vector_load %arg9[%swap3A_302] {strides = array<i32>} : memref<128xi32, #tpu.memory_space<vmem>>, vector<16xi32>,
      %swap3A_304 = vector.shape_cast %swap3A_303 : vector<16xi32> to vector<16xi32>
      %swap3A_305 = vector.shape_cast %and3A_301 : vector<16xi32> to vector<16xi32>
      tpu.vector_store %arg9[%swap3A_302], %swap3A_305 {strides = array<i32>} : memref<128xi32, #tpu.memory_space<vmem>>, vector<16xi32>,
      %shift_right_logical3A_306 = arith.constant 14 : i32
      %shift_right_logical3A_307 = vector.broadcast %shift_right_logical3A_306 : i32 to vector<16xi32>
      %shift_right_logical3A_308 = arith.shrui %get3A_298, %shift_right_logical3A_307 : vector<16xi32>
      %swap3A_309 = arith.constant 80 : index
      %swap3A_310 = tpu.vector_load %arg11[%swap3A_309] {strides = array<i32>} : memref<128xi32, #tpu.memory_space<vmem>>, vector<16xi32>,
      %swap3A_311 = vector.shape_cast %swap3A_310 : vector<16xi32> to vector<16xi32>
      %swap3A_312 = vector.shape_cast %shift_right_logical3A_308 : vector<16xi32> to vector<16xi32>
      tpu.vector_store %arg11[%swap3A_309], %swap3A_312 {strides = array<i32>} : memref<128xi32, #tpu.memory_space<vmem>>, vector<16xi32>,
      %get3A_313 = arith.constant 96 : index
      %get3A_314 = tpu.vector_load %arg7[%get3A_313] {strides = array<i32>} : memref<128xi32, #tpu.memory_space<vmem>>, vector<16xi32>,
      %get3A_315 = vector.shape_cast %get3A_314 : vector<16xi32> to vector<16xi32>
      %and3A_316 = arith.constant 16383 : i32
      %and3A_317 = vector.broadcast %and3A_316 : i32 to vector<16xi32>
      %and3A_318 = arith.andi %get3A_315, %and3A_317 : vector<16xi32>
      %swap3A_319 = arith.constant 96 : index
      %swap3A_320 = tpu.vector_load %arg9[%swap3A_319] {strides = array<i32>} : memref<128xi32, #tpu.memory_space<vmem>>, vector<16xi32>,
      %swap3A_321 = vector.shape_cast %swap3A_320 : vector<16xi32> to vector<16xi32>
      %swap3A_322 = vector.shape_cast %and3A_318 : vector<16xi32> to vector<16xi32>
      tpu.vector_store %arg9[%swap3A_319], %swap3A_322 {strides = array<i32>} : memref<128xi32, #tpu.memory_space<vmem>>, vector<16xi32>,
      %shift_right_logical3A_323 = arith.constant 14 : i32
      %shift_right_logical3A_324 = vector.broadcast %shift_right_logical3A_323 : i32 to vector<16xi32>
      %shift_right_logical3A_325 = arith.shrui %get3A_315, %shift_right_logical3A_324 : vector<16xi32>
      %swap3A_326 = arith.constant 96 : index
      %swap3A_327 = tpu.vector_load %arg11[%swap3A_326] {strides = array<i32>} : memref<128xi32, #tpu.memory_space<vmem>>, vector<16xi32>,
      %swap3A_328 = vector.shape_cast %swap3A_327 : vector<16xi32> to vector<16xi32>
      %swap3A_329 = vector.shape_cast %shift_right_logical3A_325 : vector<16xi32> to vector<16xi32>
      tpu.vector_store %arg11[%swap3A_326], %swap3A_329 {strides = array<i32>} : memref<128xi32, #tpu.memory_space<vmem>>, vector<16xi32>,
      %get3A_330 = arith.constant 112 : index
      %get3A_331 = tpu.vector_load %arg7[%get3A_330] {strides = array<i32>} : memref<128xi32, #tpu.memory_space<vmem>>, vector<16xi32>,
      %get3A_332 = vector.shape_cast %get3A_331 : vector<16xi32> to vector<16xi32>
      %and3A_333 = arith.constant 16383 : i32
      %and3A_334 = vector.broadcast %and3A_333 : i32 to vector<16xi32>
      %and3A_335 = arith.andi %get3A_332, %and3A_334 : vector<16xi32>
      %swap3A_336 = arith.constant 112 : index
      %swap3A_337 = tpu.vector_load %arg9[%swap3A_336] {strides = array<i32>} : memref<128xi32, #tpu.memory_space<vmem>>, vector<16xi32>,
      %swap3A_338 = vector.shape_cast %swap3A_337 : vector<16xi32> to vector<16xi32>
      %swap3A_339 = vector.shape_cast %and3A_335 : vector<16xi32> to vector<16xi32>
      tpu.vector_store %arg9[%swap3A_336], %swap3A_339 {strides = array<i32>} : memref<128xi32, #tpu.memory_space<vmem>>, vector<16xi32>,
      %shift_right_logical3A_340 = arith.constant 14 : i32
      %shift_right_logical3A_341 = vector.broadcast %shift_right_logical3A_340 : i32 to vector<16xi32>
      %shift_right_logical3A_342 = arith.shrui %get3A_332, %shift_right_logical3A_341 : vector<16xi32>
      %swap3A_343 = arith.constant 112 : index
      %swap3A_344 = tpu.vector_load %arg11[%swap3A_343] {strides = array<i32>} : memref<128xi32, #tpu.memory_space<vmem>>, vector<16xi32>,
      %swap3A_345 = vector.shape_cast %swap3A_344 : vector<16xi32> to vector<16xi32>
      %swap3A_346 = vector.shape_cast %shift_right_logical3A_342 : vector<16xi32> to vector<16xi32>
      tpu.vector_store %arg11[%swap3A_343], %swap3A_346 {strides = array<i32>} : memref<128xi32, #tpu.memory_space<vmem>>, vector<16xi32>,
      %dma_start3A_347 = arith.constant 0 : i32
      %dma_start3A_348 = arith.constant 0 : i32
      %dma_start3A_349 = tpu.memref_slice %arg4[%dma_start3A_347, %dma_start3A_348] : memref<10000x128xf32, #tpu.memory_space<hbm>> -> memref<10000x128xf32, #tpu.memory_space<hbm>>
      tpu.enqueue_indirect_dma source(%dma_start3A_349 : memref<10000x128xf32, #tpu.memory_space<hbm>>) target(%arg13 : memref<128x128xf32, #tpu.memory_space<vmem>>) offsets(%arg9 : memref<128xi32, #tpu.memory_space<vmem>>) semaphore(%arg19 : memref<!tpu.dma_semaphore, #tpu.memory_space<semaphore_mem>>)
      %dma_wait3A_350 = arith.constant 0 : i32
      %dma_wait3A_351 = arith.constant 0 : i32
      %dma_wait3A_352 = tpu.memref_slice %arg3[%dma_wait3A_350, %dma_wait3A_351] : memref<10000x128xf32, #tpu.memory_space<hbm>> -> memref<10000x128xf32, #tpu.memory_space<hbm>>
      tpu.wait_indirect_dma semaphore(%arg18 : memref<!tpu.dma_semaphore, #tpu.memory_space<semaphore_mem>>) src(%dma_wait3A_352 : memref<10000x128xf32, #tpu.memory_space<hbm>>) dst(%arg12 : memref<128x128xf32, #tpu.memory_space<vmem>>)
      %dma_start3A_353 = arith.constant 0 : i32
      %dma_start3A_354 = arith.constant 0 : i32
      %dma_start3A_355 = tpu.memref_slice %arg15[%dma_start3A_353, %dma_start3A_354] : memref<10112x128xf32, #tpu.memory_space<vmem_shared>> -> memref<10112x128xf32, #tpu.memory_space<vmem_shared>>
      tpu.enqueue_indirect_dma source(%arg12 : memref<128x128xf32, #tpu.memory_space<vmem>>) target(%dma_start3A_355 : memref<10112x128xf32, #tpu.memory_space<vmem_shared>>) offsets(%arg10 : memref<128xi32, #tpu.memory_space<vmem>>) semaphore(%arg20 : memref<!tpu.dma_semaphore, #tpu.memory_space<semaphore_mem>>) {add = true}
      %dma_wait3A_356 = arith.constant 0 : i32
      %dma_wait3A_357 = arith.constant 0 : i32
      %dma_wait3A_358 = tpu.memref_slice %arg4[%dma_wait3A_356, %dma_wait3A_357] : memref<10000x128xf32, #tpu.memory_space<hbm>> -> memref<10000x128xf32, #tpu.memory_space<hbm>>
      tpu.wait_indirect_dma semaphore(%arg19 : memref<!tpu.dma_semaphore, #tpu.memory_space<semaphore_mem>>) src(%dma_wait3A_358 : memref<10000x128xf32, #tpu.memory_space<hbm>>) dst(%arg13 : memref<128x128xf32, #tpu.memory_space<vmem>>)
      %dma_start3A_359 = arith.constant 0 : i32
      %dma_start3A_360 = arith.constant 0 : i32
      %dma_start3A_361 = tpu.memref_slice %arg15[%dma_start3A_359, %dma_start3A_360] : memref<10112x128xf32, #tpu.memory_space<vmem_shared>> -> memref<10112x128xf32, #tpu.memory_space<vmem_shared>>
      tpu.enqueue_indirect_dma source(%arg13 : memref<128x128xf32, #tpu.memory_space<vmem>>) target(%dma_start3A_361 : memref<10112x128xf32, #tpu.memory_space<vmem_shared>>) offsets(%arg11 : memref<128xi32, #tpu.memory_space<vmem>>) semaphore(%arg21 : memref<!tpu.dma_semaphore, #tpu.memory_space<semaphore_mem>>) {add = true}
      %dma_wait3A_362 = arith.constant 0 : i32
      %dma_wait3A_363 = arith.constant 0 : i32
      %dma_wait3A_364 = tpu.memref_slice %arg15[%dma_wait3A_362, %dma_wait3A_363] : memref<10112x128xf32, #tpu.memory_space<vmem_shared>> -> memref<10112x128xf32, #tpu.memory_space<vmem_shared>>
      tpu.wait_indirect_dma semaphore(%arg20 : memref<!tpu.dma_semaphore, #tpu.memory_space<semaphore_mem>>) src(%arg12 : memref<128x128xf32, #tpu.memory_space<vmem>>) dst(%dma_wait3A_364 : memref<10112x128xf32, #tpu.memory_space<vmem_shared>>)
      %dma_wait3A_365 = arith.constant 0 : i32
      %dma_wait3A_366 = arith.constant 0 : i32
      %dma_wait3A_367 = tpu.memref_slice %arg15[%dma_wait3A_365, %dma_wait3A_366] : memref<10112x128xf32, #tpu.memory_space<vmem_shared>> -> memref<10112x128xf32, #tpu.memory_space<vmem_shared>>
      tpu.wait_indirect_dma semaphore(%arg21 : memref<!tpu.dma_semaphore, #tpu.memory_space<semaphore_mem>>) src(%arg13 : memref<128x128xf32, #tpu.memory_space<vmem>>) dst(%dma_wait3A_367 : memref<10112x128xf32, #tpu.memory_space<vmem_shared>>)
    }
    %scan3A_33 = arith.constant 40 : i32
    %barrier3A_34 = arith.constant 0 : index
    tpu.barrier barrier_id(%barrier3A_34)
    %mul3A_35 = arith.constant 632 : i32
    %mul3A_36 = arith.muli %arg1, %mul3A_35 : i32
    %add3A_37 = arith.constant 0 : i32
    %add3A_38 = arith.addi %mul3A_36, %add3A_37 : i32
    "tpu.region"() ({
      %run_scoped3A = tpu.sem_alloc : memref<!tpu.dma_semaphore, #tpu.memory_space<semaphore_mem>>
      %dma_start3A = arith.constant 0 : i32
      %dma_start3A_55 = tpu.memref_slice %arg15[%add3A_38, %dma_start3A] : memref<10112x128xf32, #tpu.memory_space<vmem_shared>> -> memref<128x128xf32, #tpu.memory_space<vmem_shared>>
      %dma_start3A_56 = arith.constant 0 : i32
      %dma_start3A_57 = tpu.memref_slice %arg15[%add3A_38, %dma_start3A_56] : memref<10112x128xf32, #tpu.memory_space<vmem_shared>> -> memref<128x128xf32, #tpu.memory_space<vmem_shared>>
      tpu.enqueue_dma source(%dma_start3A_57 : memref<128x128xf32, #tpu.memory_space<vmem_shared>>) target(%arg14 : memref<128x128xf32, #tpu.memory_space<vmem>>) target_semaphore(%run_scoped3A : memref<!tpu.dma_semaphore, #tpu.memory_space<semaphore_mem>>)
      %dma_wait3A = arith.constant 0 : i32
      %dma_wait3A_58 = tpu.memref_slice %arg15[%add3A_38, %dma_wait3A] : memref<10112x128xf32, #tpu.memory_space<vmem_shared>> -> memref<128x128xf32, #tpu.memory_space<vmem_shared>>
      %dma_wait3A_59 = arith.constant 0 : i32
      %dma_wait3A_60 = tpu.memref_slice %arg15[%add3A_38, %dma_wait3A_59] : memref<10112x128xf32, #tpu.memory_space<vmem_shared>> -> memref<128x128xf32, #tpu.memory_space<vmem_shared>>
      tpu.wait_dma2 semaphore(%run_scoped3A : memref<!tpu.dma_semaphore, #tpu.memory_space<semaphore_mem>>) src(%dma_wait3A_60 : memref<128x128xf32, #tpu.memory_space<vmem_shared>>) dst(%arg14 : memref<128x128xf32, #tpu.memory_space<vmem>>)
      tpu.yield
    }) : () -> ()
    "tpu.region"() ({
      %run_scoped3A = tpu.sem_alloc : memref<!tpu.dma_semaphore, #tpu.memory_space<semaphore_mem>>
      %dma_start3A = arith.constant 0 : i32
      %dma_start3A_55 = tpu.memref_slice %arg5[%arg0, %add3A_38, %dma_start3A] : memref<2x10112x128xf32, #tpu.memory_space<hbm>> -> memref<1x128x128xf32, #tpu.memory_space<hbm>>
      %dma_start3A_56 = tpu.memref_squeeze %dma_start3A_55 : memref<1x128x128xf32, #tpu.memory_space<hbm>> -> memref<128x128xf32, #tpu.memory_space<hbm>>
      %dma_start3A_57 = arith.constant 0 : i32
      %dma_start3A_58 = tpu.memref_slice %arg5[%arg0, %add3A_38, %dma_start3A_57] : memref<2x10112x128xf32, #tpu.memory_space<hbm>> -> memref<1x128x128xf32, #tpu.memory_space<hbm>>
      %dma_start3A_59 = tpu.memref_squeeze %dma_start3A_58 : memref<1x128x128xf32, #tpu.memory_space<hbm>> -> memref<128x128xf32, #tpu.memory_space<hbm>>
      tpu.enqueue_dma source(%arg14 : memref<128x128xf32, #tpu.memory_space<vmem>>) target(%dma_start3A_59 : memref<128x128xf32, #tpu.memory_space<hbm>>) target_semaphore(%run_scoped3A : memref<!tpu.dma_semaphore, #tpu.memory_space<semaphore_mem>>)
      %dma_wait3A = arith.constant 0 : i32
      %dma_wait3A_60 = tpu.memref_slice %arg5[%arg0, %add3A_38, %dma_wait3A] : memref<2x10112x128xf32, #tpu.memory_space<hbm>> -> memref<1x128x128xf32, #tpu.memory_space<hbm>>
      %dma_wait3A_61 = tpu.memref_squeeze %dma_wait3A_60 : memref<1x128x128xf32, #tpu.memory_space<hbm>> -> memref<128x128xf32, #tpu.memory_space<hbm>>
      %dma_wait3A_62 = arith.constant 0 : i32
      %dma_wait3A_63 = tpu.memref_slice %arg5[%arg0, %add3A_38, %dma_wait3A_62] : memref<2x10112x128xf32, #tpu.memory_space<hbm>> -> memref<1x128x128xf32, #tpu.memory_space<hbm>>
      %dma_wait3A_64 = tpu.memref_squeeze %dma_wait3A_63 : memref<1x128x128xf32, #tpu.memory_space<hbm>> -> memref<128x128xf32, #tpu.memory_space<hbm>>
      tpu.wait_dma2 semaphore(%run_scoped3A : memref<!tpu.dma_semaphore, #tpu.memory_space<semaphore_mem>>) src(%arg14 : memref<128x128xf32, #tpu.memory_space<vmem>>) dst(%dma_wait3A_64 : memref<128x128xf32, #tpu.memory_space<hbm>>)
      tpu.yield
    }) : () -> ()
    %mul3A_39 = arith.constant 632 : i32
    %mul3A_40 = arith.muli %arg1, %mul3A_39 : i32
    %add3A_41 = arith.constant 128 : i32
    %add3A_42 = arith.addi %mul3A_40, %add3A_41 : i32
    "tpu.region"() ({
      %run_scoped3A = tpu.sem_alloc : memref<!tpu.dma_semaphore, #tpu.memory_space<semaphore_mem>>
      %dma_start3A = arith.constant 0 : i32
      %dma_start3A_55 = tpu.memref_slice %arg15[%add3A_42, %dma_start3A] : memref<10112x128xf32, #tpu.memory_space<vmem_shared>> -> memref<128x128xf32, #tpu.memory_space<vmem_shared>>
      %dma_start3A_56 = arith.constant 0 : i32
      %dma_start3A_57 = tpu.memref_slice %arg15[%add3A_42, %dma_start3A_56] : memref<10112x128xf32, #tpu.memory_space<vmem_shared>> -> memref<128x128xf32, #tpu.memory_space<vmem_shared>>
      tpu.enqueue_dma source(%dma_start3A_57 : memref<128x128xf32, #tpu.memory_space<vmem_shared>>) target(%arg14 : memref<128x128xf32, #tpu.memory_space<vmem>>) target_semaphore(%run_scoped3A : memref<!tpu.dma_semaphore, #tpu.memory_space<semaphore_mem>>)
      %dma_wait3A = arith.constant 0 : i32
      %dma_wait3A_58 = tpu.memref_slice %arg15[%add3A_42, %dma_wait3A] : memref<10112x128xf32, #tpu.memory_space<vmem_shared>> -> memref<128x128xf32, #tpu.memory_space<vmem_shared>>
      %dma_wait3A_59 = arith.constant 0 : i32
      %dma_wait3A_60 = tpu.memref_slice %arg15[%add3A_42, %dma_wait3A_59] : memref<10112x128xf32, #tpu.memory_space<vmem_shared>> -> memref<128x128xf32, #tpu.memory_space<vmem_shared>>
      tpu.wait_dma2 semaphore(%run_scoped3A : memref<!tpu.dma_semaphore, #tpu.memory_space<semaphore_mem>>) src(%dma_wait3A_60 : memref<128x128xf32, #tpu.memory_space<vmem_shared>>) dst(%arg14 : memref<128x128xf32, #tpu.memory_space<vmem>>)
      tpu.yield
    }) : () -> ()
    "tpu.region"() ({
      %run_scoped3A = tpu.sem_alloc : memref<!tpu.dma_semaphore, #tpu.memory_space<semaphore_mem>>
      %dma_start3A = arith.constant 0 : i32
      %dma_start3A_55 = tpu.memref_slice %arg5[%arg0, %add3A_42, %dma_start3A] : memref<2x10112x128xf32, #tpu.memory_space<hbm>> -> memref<1x128x128xf32, #tpu.memory_space<hbm>>
      %dma_start3A_56 = tpu.memref_squeeze %dma_start3A_55 : memref<1x128x128xf32, #tpu.memory_space<hbm>> -> memref<128x128xf32, #tpu.memory_space<hbm>>
      %dma_start3A_57 = arith.constant 0 : i32
      %dma_start3A_58 = tpu.memref_slice %arg5[%arg0, %add3A_42, %dma_start3A_57] : memref<2x10112x128xf32, #tpu.memory_space<hbm>> -> memref<1x128x128xf32, #tpu.memory_space<hbm>>
      %dma_start3A_59 = tpu.memref_squeeze %dma_start3A_58 : memref<1x128x128xf32, #tpu.memory_space<hbm>> -> memref<128x128xf32, #tpu.memory_space<hbm>>
      tpu.enqueue_dma source(%arg14 : memref<128x128xf32, #tpu.memory_space<vmem>>) target(%dma_start3A_59 : memref<128x128xf32, #tpu.memory_space<hbm>>) target_semaphore(%run_scoped3A : memref<!tpu.dma_semaphore, #tpu.memory_space<semaphore_mem>>)
      %dma_wait3A = arith.constant 0 : i32
      %dma_wait3A_60 = tpu.memref_slice %arg5[%arg0, %add3A_42, %dma_wait3A] : memref<2x10112x128xf32, #tpu.memory_space<hbm>> -> memref<1x128x128xf32, #tpu.memory_space<hbm>>
      %dma_wait3A_61 = tpu.memref_squeeze %dma_wait3A_60 : memref<1x128x128xf32, #tpu.memory_space<hbm>> -> memref<128x128xf32, #tpu.memory_space<hbm>>
      %dma_wait3A_62 = arith.constant 0 : i32
      %dma_wait3A_63 = tpu.memref_slice %arg5[%arg0, %add3A_42, %dma_wait3A_62] : memref<2x10112x128xf32, #tpu.memory_space<hbm>> -> memref<1x128x128xf32, #tpu.memory_space<hbm>>
      %dma_wait3A_64 = tpu.memref_squeeze %dma_wait3A_63 : memref<1x128x128xf32, #tpu.memory_space<hbm>> -> memref<128x128xf32, #tpu.memory_space<hbm>>
      tpu.wait_dma2 semaphore(%run_scoped3A : memref<!tpu.dma_semaphore, #tpu.memory_space<semaphore_mem>>) src(%arg14 : memref<128x128xf32, #tpu.memory_space<vmem>>) dst(%dma_wait3A_64 : memref<128x128xf32, #tpu.memory_space<hbm>>)
      tpu.yield
    }) : () -> ()
    %mul3A_43 = arith.constant 632 : i32
    %mul3A_44 = arith.muli %arg1, %mul3A_43 : i32
    %add3A_45 = arith.constant 256 : i32
    %add3A_46 = arith.addi %mul3A_44, %add3A_45 : i32
    "tpu.region"() ({
      %run_scoped3A = tpu.sem_alloc : memref<!tpu.dma_semaphore, #tpu.memory_space<semaphore_mem>>
      %dma_start3A = arith.constant 0 : i32
      %dma_start3A_55 = tpu.memref_slice %arg15[%add3A_46, %dma_start3A] : memref<10112x128xf32, #tpu.memory_space<vmem_shared>> -> memref<128x128xf32, #tpu.memory_space<vmem_shared>>
      %dma_start3A_56 = arith.constant 0 : i32
      %dma_start3A_57 = tpu.memref_slice %arg15[%add3A_46, %dma_start3A_56] : memref<10112x128xf32, #tpu.memory_space<vmem_shared>> -> memref<128x128xf32, #tpu.memory_space<vmem_shared>>
      tpu.enqueue_dma source(%dma_start3A_57 : memref<128x128xf32, #tpu.memory_space<vmem_shared>>) target(%arg14 : memref<128x128xf32, #tpu.memory_space<vmem>>) target_semaphore(%run_scoped3A : memref<!tpu.dma_semaphore, #tpu.memory_space<semaphore_mem>>)
      %dma_wait3A = arith.constant 0 : i32
      %dma_wait3A_58 = tpu.memref_slice %arg15[%add3A_46, %dma_wait3A] : memref<10112x128xf32, #tpu.memory_space<vmem_shared>> -> memref<128x128xf32, #tpu.memory_space<vmem_shared>>
      %dma_wait3A_59 = arith.constant 0 : i32
      %dma_wait3A_60 = tpu.memref_slice %arg15[%add3A_46, %dma_wait3A_59] : memref<10112x128xf32, #tpu.memory_space<vmem_shared>> -> memref<128x128xf32, #tpu.memory_space<vmem_shared>>
      tpu.wait_dma2 semaphore(%run_scoped3A : memref<!tpu.dma_semaphore, #tpu.memory_space<semaphore_mem>>) src(%dma_wait3A_60 : memref<128x128xf32, #tpu.memory_space<vmem_shared>>) dst(%arg14 : memref<128x128xf32, #tpu.memory_space<vmem>>)
      tpu.yield
    }) : () -> ()
    "tpu.region"() ({
      %run_scoped3A = tpu.sem_alloc : memref<!tpu.dma_semaphore, #tpu.memory_space<semaphore_mem>>
      %dma_start3A = arith.constant 0 : i32
      %dma_start3A_55 = tpu.memref_slice %arg5[%arg0, %add3A_46, %dma_start3A] : memref<2x10112x128xf32, #tpu.memory_space<hbm>> -> memref<1x128x128xf32, #tpu.memory_space<hbm>>
      %dma_start3A_56 = tpu.memref_squeeze %dma_start3A_55 : memref<1x128x128xf32, #tpu.memory_space<hbm>> -> memref<128x128xf32, #tpu.memory_space<hbm>>
      %dma_start3A_57 = arith.constant 0 : i32
      %dma_start3A_58 = tpu.memref_slice %arg5[%arg0, %add3A_46, %dma_start3A_57] : memref<2x10112x128xf32, #tpu.memory_space<hbm>> -> memref<1x128x128xf32, #tpu.memory_space<hbm>>
      %dma_start3A_59 = tpu.memref_squeeze %dma_start3A_58 : memref<1x128x128xf32, #tpu.memory_space<hbm>> -> memref<128x128xf32, #tpu.memory_space<hbm>>
      tpu.enqueue_dma source(%arg14 : memref<128x128xf32, #tpu.memory_space<vmem>>) target(%dma_start3A_59 : memref<128x128xf32, #tpu.memory_space<hbm>>) target_semaphore(%run_scoped3A : memref<!tpu.dma_semaphore, #tpu.memory_space<semaphore_mem>>)
      %dma_wait3A = arith.constant 0 : i32
      %dma_wait3A_60 = tpu.memref_slice %arg5[%arg0, %add3A_46, %dma_wait3A] : memref<2x10112x128xf32, #tpu.memory_space<hbm>> -> memref<1x128x128xf32, #tpu.memory_space<hbm>>
      %dma_wait3A_61 = tpu.memref_squeeze %dma_wait3A_60 : memref<1x128x128xf32, #tpu.memory_space<hbm>> -> memref<128x128xf32, #tpu.memory_space<hbm>>
      %dma_wait3A_62 = arith.constant 0 : i32
      %dma_wait3A_63 = tpu.memref_slice %arg5[%arg0, %add3A_46, %dma_wait3A_62] : memref<2x10112x128xf32, #tpu.memory_space<hbm>> -> memref<1x128x128xf32, #tpu.memory_space<hbm>>
      %dma_wait3A_64 = tpu.memref_squeeze %dma_wait3A_63 : memref<1x128x128xf32, #tpu.memory_space<hbm>> -> memref<128x128xf32, #tpu.memory_space<hbm>>
      tpu.wait_dma2 semaphore(%run_scoped3A : memref<!tpu.dma_semaphore, #tpu.memory_space<semaphore_mem>>) src(%arg14 : memref<128x128xf32, #tpu.memory_space<vmem>>) dst(%dma_wait3A_64 : memref<128x128xf32, #tpu.memory_space<hbm>>)
      tpu.yield
    }) : () -> ()
    %mul3A_47 = arith.constant 632 : i32
    %mul3A_48 = arith.muli %arg1, %mul3A_47 : i32
    %add3A_49 = arith.constant 384 : i32
    %add3A_50 = arith.addi %mul3A_48, %add3A_49 : i32
    "tpu.region"() ({
      %run_scoped3A = tpu.sem_alloc : memref<!tpu.dma_semaphore, #tpu.memory_space<semaphore_mem>>
      %dma_start3A = arith.constant 0 : i32
      %dma_start3A_55 = tpu.memref_slice %arg15[%add3A_50, %dma_start3A] : memref<10112x128xf32, #tpu.memory_space<vmem_shared>> -> memref<128x128xf32, #tpu.memory_space<vmem_shared>>
      %dma_start3A_56 = arith.constant 0 : i32
      %dma_start3A_57 = tpu.memref_slice %arg15[%add3A_50, %dma_start3A_56] : memref<10112x128xf32, #tpu.memory_space<vmem_shared>> -> memref<128x128xf32, #tpu.memory_space<vmem_shared>>
      tpu.enqueue_dma source(%dma_start3A_57 : memref<128x128xf32, #tpu.memory_space<vmem_shared>>) target(%arg14 : memref<128x128xf32, #tpu.memory_space<vmem>>) target_semaphore(%run_scoped3A : memref<!tpu.dma_semaphore, #tpu.memory_space<semaphore_mem>>)
      %dma_wait3A = arith.constant 0 : i32
      %dma_wait3A_58 = tpu.memref_slice %arg15[%add3A_50, %dma_wait3A] : memref<10112x128xf32, #tpu.memory_space<vmem_shared>> -> memref<128x128xf32, #tpu.memory_space<vmem_shared>>
      %dma_wait3A_59 = arith.constant 0 : i32
      %dma_wait3A_60 = tpu.memref_slice %arg15[%add3A_50, %dma_wait3A_59] : memref<10112x128xf32, #tpu.memory_space<vmem_shared>> -> memref<128x128xf32, #tpu.memory_space<vmem_shared>>
      tpu.wait_dma2 semaphore(%run_scoped3A : memref<!tpu.dma_semaphore, #tpu.memory_space<semaphore_mem>>) src(%dma_wait3A_60 : memref<128x128xf32, #tpu.memory_space<vmem_shared>>) dst(%arg14 : memref<128x128xf32, #tpu.memory_space<vmem>>)
      tpu.yield
    }) : () -> ()
    "tpu.region"() ({
      %run_scoped3A = tpu.sem_alloc : memref<!tpu.dma_semaphore, #tpu.memory_space<semaphore_mem>>
      %dma_start3A = arith.constant 0 : i32
      %dma_start3A_55 = tpu.memref_slice %arg5[%arg0, %add3A_50, %dma_start3A] : memref<2x10112x128xf32, #tpu.memory_space<hbm>> -> memref<1x128x128xf32, #tpu.memory_space<hbm>>
      %dma_start3A_56 = tpu.memref_squeeze %dma_start3A_55 : memref<1x128x128xf32, #tpu.memory_space<hbm>> -> memref<128x128xf32, #tpu.memory_space<hbm>>
      %dma_start3A_57 = arith.constant 0 : i32
      %dma_start3A_58 = tpu.memref_slice %arg5[%arg0, %add3A_50, %dma_start3A_57] : memref<2x10112x128xf32, #tpu.memory_space<hbm>> -> memref<1x128x128xf32, #tpu.memory_space<hbm>>
      %dma_start3A_59 = tpu.memref_squeeze %dma_start3A_58 : memref<1x128x128xf32, #tpu.memory_space<hbm>> -> memref<128x128xf32, #tpu.memory_space<hbm>>
      tpu.enqueue_dma source(%arg14 : memref<128x128xf32, #tpu.memory_space<vmem>>) target(%dma_start3A_59 : memref<128x128xf32, #tpu.memory_space<hbm>>) target_semaphore(%run_scoped3A : memref<!tpu.dma_semaphore, #tpu.memory_space<semaphore_mem>>)
      %dma_wait3A = arith.constant 0 : i32
      %dma_wait3A_60 = tpu.memref_slice %arg5[%arg0, %add3A_50, %dma_wait3A] : memref<2x10112x128xf32, #tpu.memory_space<hbm>> -> memref<1x128x128xf32, #tpu.memory_space<hbm>>
      %dma_wait3A_61 = tpu.memref_squeeze %dma_wait3A_60 : memref<1x128x128xf32, #tpu.memory_space<hbm>> -> memref<128x128xf32, #tpu.memory_space<hbm>>
      %dma_wait3A_62 = arith.constant 0 : i32
      %dma_wait3A_63 = tpu.memref_slice %arg5[%arg0, %add3A_50, %dma_wait3A_62] : memref<2x10112x128xf32, #tpu.memory_space<hbm>> -> memref<1x128x128xf32, #tpu.memory_space<hbm>>
      %dma_wait3A_64 = tpu.memref_squeeze %dma_wait3A_63 : memref<1x128x128xf32, #tpu.memory_space<hbm>> -> memref<128x128xf32, #tpu.memory_space<hbm>>
      tpu.wait_dma2 semaphore(%run_scoped3A : memref<!tpu.dma_semaphore, #tpu.memory_space<semaphore_mem>>) src(%arg14 : memref<128x128xf32, #tpu.memory_space<vmem>>) dst(%dma_wait3A_64 : memref<128x128xf32, #tpu.memory_space<hbm>>)
      tpu.yield
    }) : () -> ()
    %mul3A_51 = arith.constant 632 : i32
    %mul3A_52 = arith.muli %arg1, %mul3A_51 : i32
    %add3A_53 = arith.constant 512 : i32
    %add3A_54 = arith.addi %mul3A_52, %add3A_53 : i32
    "tpu.region"() ({
      %run_scoped3A = tpu.sem_alloc : memref<!tpu.dma_semaphore, #tpu.memory_space<semaphore_mem>>
      %dma_start3A = arith.constant 0 : i32
      %dma_start3A_55 = arith.constant 0 : i32
      %dma_start3A_56 = tpu.memref_slice %arg14[%dma_start3A, %dma_start3A_55] : memref<128x128xf32, #tpu.memory_space<vmem>> -> memref<120x128xf32, #tpu.memory_space<vmem>>
      %dma_start3A_57 = arith.constant 0 : i32
      %dma_start3A_58 = tpu.memref_slice %arg15[%add3A_54, %dma_start3A_57] : memref<10112x128xf32, #tpu.memory_space<vmem_shared>> -> memref<120x128xf32, #tpu.memory_space<vmem_shared>>
      %dma_start3A_59 = arith.constant 0 : i32
      %dma_start3A_60 = arith.constant 0 : i32
      %dma_start3A_61 = tpu.memref_slice %arg14[%dma_start3A_59, %dma_start3A_60] : memref<128x128xf32, #tpu.memory_space<vmem>> -> memref<120x128xf32, #tpu.memory_space<vmem>>
      %dma_start3A_62 = arith.constant 0 : i32
      %dma_start3A_63 = tpu.memref_slice %arg15[%add3A_54, %dma_start3A_62] : memref<10112x128xf32, #tpu.memory_space<vmem_shared>> -> memref<120x128xf32, #tpu.memory_space<vmem_shared>>
      tpu.enqueue_dma source(%dma_start3A_63 : memref<120x128xf32, #tpu.memory_space<vmem_shared>>) target(%dma_start3A_61 : memref<120x128xf32, #tpu.memory_space<vmem>>) target_semaphore(%run_scoped3A : memref<!tpu.dma_semaphore, #tpu.memory_space<semaphore_mem>>)
      %dma_wait3A = arith.constant 0 : i32
      %dma_wait3A_64 = arith.constant 0 : i32
      %dma_wait3A_65 = tpu.memref_slice %arg14[%dma_wait3A, %dma_wait3A_64] : memref<128x128xf32, #tpu.memory_space<vmem>> -> memref<120x128xf32, #tpu.memory_space<vmem>>
      %dma_wait3A_66 = arith.constant 0 : i32
      %dma_wait3A_67 = tpu.memref_slice %arg15[%add3A_54, %dma_wait3A_66] : memref<10112x128xf32, #tpu.memory_space<vmem_shared>> -> memref<120x128xf32, #tpu.memory_space<vmem_shared>>
      %dma_wait3A_68 = arith.constant 0 : i32
      %dma_wait3A_69 = arith.constant 0 : i32
      %dma_wait3A_70 = tpu.memref_slice %arg14[%dma_wait3A_68, %dma_wait3A_69] : memref<128x128xf32, #tpu.memory_space<vmem>> -> memref<120x128xf32, #tpu.memory_space<vmem>>
      %dma_wait3A_71 = arith.constant 0 : i32
      %dma_wait3A_72 = tpu.memref_slice %arg15[%add3A_54, %dma_wait3A_71] : memref<10112x128xf32, #tpu.memory_space<vmem_shared>> -> memref<120x128xf32, #tpu.memory_space<vmem_shared>>
      tpu.wait_dma2 semaphore(%run_scoped3A : memref<!tpu.dma_semaphore, #tpu.memory_space<semaphore_mem>>) src(%dma_wait3A_72 : memref<120x128xf32, #tpu.memory_space<vmem_shared>>) dst(%dma_wait3A_70 : memref<120x128xf32, #tpu.memory_space<vmem>>)
      tpu.yield
    }) : () -> ()
    "tpu.region"() ({
      %run_scoped3A = tpu.sem_alloc : memref<!tpu.dma_semaphore, #tpu.memory_space<semaphore_mem>>
      %dma_start3A = arith.constant 0 : i32
      %dma_start3A_55 = arith.constant 0 : i32
      %dma_start3A_56 = tpu.memref_slice %arg14[%dma_start3A, %dma_start3A_55] : memref<128x128xf32, #tpu.memory_space<vmem>> -> memref<120x128xf32, #tpu.memory_space<vmem>>
      %dma_start3A_57 = arith.constant 0 : i32
      %dma_start3A_58 = tpu.memref_slice %arg5[%arg0, %add3A_54, %dma_start3A_57] : memref<2x10112x128xf32, #tpu.memory_space<hbm>> -> memref<1x120x128xf32, #tpu.memory_space<hbm>>
      %dma_start3A_59 = tpu.memref_squeeze %dma_start3A_58 : memref<1x120x128xf32, #tpu.memory_space<hbm>> -> memref<120x128xf32, #tpu.memory_space<hbm>>
      %dma_start3A_60 = arith.constant 0 : i32
      %dma_start3A_61 = tpu.memref_slice %arg5[%arg0, %add3A_54, %dma_start3A_60] : memref<2x10112x128xf32, #tpu.memory_space<hbm>> -> memref<1x120x128xf32, #tpu.memory_space<hbm>>
      %dma_start3A_62 = tpu.memref_squeeze %dma_start3A_61 : memref<1x120x128xf32, #tpu.memory_space<hbm>> -> memref<120x128xf32, #tpu.memory_space<hbm>>
      %dma_start3A_63 = arith.constant 0 : i32
      %dma_start3A_64 = arith.constant 0 : i32
      %dma_start3A_65 = tpu.memref_slice %arg14[%dma_start3A_63, %dma_start3A_64] : memref<128x128xf32, #tpu.memory_space<vmem>> -> memref<120x128xf32, #tpu.memory_space<vmem>>
      tpu.enqueue_dma source(%dma_start3A_65 : memref<120x128xf32, #tpu.memory_space<vmem>>) target(%dma_start3A_62 : memref<120x128xf32, #tpu.memory_space<hbm>>) target_semaphore(%run_scoped3A : memref<!tpu.dma_semaphore, #tpu.memory_space<semaphore_mem>>)
      %dma_wait3A = arith.constant 0 : i32
      %dma_wait3A_66 = arith.constant 0 : i32
      %dma_wait3A_67 = tpu.memref_slice %arg14[%dma_wait3A, %dma_wait3A_66] : memref<128x128xf32, #tpu.memory_space<vmem>> -> memref<120x128xf32, #tpu.memory_space<vmem>>
      %dma_wait3A_68 = arith.constant 0 : i32
      %dma_wait3A_69 = tpu.memref_slice %arg5[%arg0, %add3A_54, %dma_wait3A_68] : memref<2x10112x128xf32, #tpu.memory_space<hbm>> -> memref<1x120x128xf32, #tpu.memory_space<hbm>>
      %dma_wait3A_70 = tpu.memref_squeeze %dma_wait3A_69 : memref<1x120x128xf32, #tpu.memory_space<hbm>> -> memref<120x128xf32, #tpu.memory_space<hbm>>
      %dma_wait3A_71 = arith.constant 0 : i32
      %dma_wait3A_72 = tpu.memref_slice %arg5[%arg0, %add3A_54, %dma_wait3A_71] : memref<2x10112x128xf32, #tpu.memory_space<hbm>> -> memref<1x120x128xf32, #tpu.memory_space<hbm>>
      %dma_wait3A_73 = tpu.memref_squeeze %dma_wait3A_72 : memref<1x120x128xf32, #tpu.memory_space<hbm>> -> memref<120x128xf32, #tpu.memory_space<hbm>>
      %dma_wait3A_74 = arith.constant 0 : i32
      %dma_wait3A_75 = arith.constant 0 : i32
      %dma_wait3A_76 = tpu.memref_slice %arg14[%dma_wait3A_74, %dma_wait3A_75] : memref<128x128xf32, #tpu.memory_space<vmem>> -> memref<120x128xf32, #tpu.memory_space<vmem>>
      tpu.wait_dma2 semaphore(%run_scoped3A : memref<!tpu.dma_semaphore, #tpu.memory_space<semaphore_mem>>) src(%dma_wait3A_76 : memref<120x128xf32, #tpu.memory_space<vmem>>) dst(%dma_wait3A_73 : memref<120x128xf32, #tpu.memory_space<hbm>>)
      tpu.yield
    }) : () -> ()
    return
  }
}

#map = affine_map<(d0, d1) -> (0)>
#map1 = affine_map<(d0, d1) -> (0, 0, 0)>
module attributes {stable_mosaic.version = 14 : i64} {
  func.func @_deg_body(%arg0: i32, %arg1: i32, %arg2: memref<327680xi32, #tpu.memory_space<hbm>>, %arg3: memref<2x16x640xf32, #tpu.memory_space<hbm>>, %arg4: memref<128xi32, #tpu.memory_space<vmem>>, %arg5: memref<128xi32, #tpu.memory_space<vmem>>, %arg6: memref<128xi32, #tpu.memory_space<vmem>>, %arg7: memref<128xi32, #tpu.memory_space<vmem>>, %arg8: memref<128xf32, #tpu.memory_space<vmem>>, %arg9: memref<640xf32, #tpu.memory_space<vmem>>, %arg10: memref<10112xf32, #tpu.memory_space<vmem_shared>>, %arg11: memref<!tpu.dma_semaphore, #tpu.memory_space<semaphore_mem>>, %arg12: memref<!tpu.dma_semaphore, #tpu.memory_space<semaphore_mem>>, %arg13: memref<!tpu.dma_semaphore, #tpu.memory_space<semaphore_mem>>, %arg14: memref<!tpu.dma_semaphore, #tpu.memory_space<semaphore_mem>>, %arg15: memref<!tpu.dma_semaphore, #tpu.memory_space<semaphore_mem>>, %arg16: memref<!tpu.dma_semaphore, #tpu.memory_space<semaphore_mem>>, %arg17: memref<!tpu.dma_semaphore, #tpu.memory_space<semaphore_mem>>, %arg18: memref<!tpu.dma_semaphore, #tpu.memory_space<semaphore_mem>>) attributes {dimension_semantics = [#tpu.dimension_semantics<core_parallel>, #tpu.dimension_semantics<subcore_parallel>], iteration_bounds = array<i64: 2, 16>, scalar_prefetch = 0 : i64, scratch_operands = 15 : i64, tpu.core_type = #tpu.core_type<sc_vector_subcore>, window_params = [{transform_indices = #map}, {transform_indices = #map1}]} {
    %mul3A = arith.constant 16 : i32
    %mul3A_0 = arith.muli %arg0, %mul3A : i32
    %add3A = arith.addi %mul3A_0, %arg1 : i32
    %mul3A_1 = arith.constant 10240 : i32
    %mul3A_2 = arith.muli %add3A, %mul3A_1 : i32
    %scan3A = arith.constant 0 : i32
    %scan3A_3 = arith.constant 0 : i32
    %scan3A_4 = arith.constant 40 : i32
    %scan3A_5 = arith.addi %scan3A_3, %scan3A_4 : i32
    %scan3A_6 = arith.constant 1 : i32
    scf.for %scan3A_65 = %scan3A_3 to %scan3A_5 step %scan3A_6  : i32 {
      %broadcast_in_dim3A_66 = arith.constant 0.000000e+00 : f32
      %broadcast_in_dim3A_67 = vector.broadcast %broadcast_in_dim3A_66 : f32 to vector<16xf32>
      %mul3A_68 = arith.constant 16 : i32
      %mul3A_69 = arith.muli %scan3A_65, %mul3A_68 : i32
      %swap3A_70 = arith.index_cast %mul3A_69 : i32 to index
      %swap3A_71 = tpu.vector_load %arg9[%swap3A_70] {strides = array<i32>} : memref<640xf32, #tpu.memory_space<vmem>>, vector<16xf32>,
      %swap3A_72 = vector.shape_cast %swap3A_71 : vector<16xf32> to vector<16xf32>
      %swap3A_73 = vector.shape_cast %broadcast_in_dim3A_67 : vector<16xf32> to vector<16xf32>
      tpu.vector_store %arg9[%swap3A_70], %swap3A_73 {strides = array<i32>} : memref<640xf32, #tpu.memory_space<vmem>>, vector<16xf32>,
    }
    %scan3A_7 = arith.constant 40 : i32
    %broadcast_in_dim3A = arith.constant 1.000000e+00 : f32
    %broadcast_in_dim3A_8 = vector.broadcast %broadcast_in_dim3A : f32 to vector<16xf32>
    %swap3A = arith.constant 0 : index
    %swap3A_9 = tpu.vector_load %arg8[%swap3A] {strides = array<i32>} : memref<128xf32, #tpu.memory_space<vmem>>, vector<16xf32>,
    %swap3A_10 = vector.shape_cast %swap3A_9 : vector<16xf32> to vector<16xf32>
    %swap3A_11 = vector.shape_cast %broadcast_in_dim3A_8 : vector<16xf32> to vector<16xf32>
    tpu.vector_store %arg8[%swap3A], %swap3A_11 {strides = array<i32>} : memref<128xf32, #tpu.memory_space<vmem>>, vector<16xf32>,
    %broadcast_in_dim3A_12 = arith.constant 1.000000e+00 : f32
    %broadcast_in_dim3A_13 = vector.broadcast %broadcast_in_dim3A_12 : f32 to vector<16xf32>
    %swap3A_14 = arith.constant 16 : index
    %swap3A_15 = tpu.vector_load %arg8[%swap3A_14] {strides = array<i32>} : memref<128xf32, #tpu.memory_space<vmem>>, vector<16xf32>,
    %swap3A_16 = vector.shape_cast %swap3A_15 : vector<16xf32> to vector<16xf32>
    %swap3A_17 = vector.shape_cast %broadcast_in_dim3A_13 : vector<16xf32> to vector<16xf32>
    tpu.vector_store %arg8[%swap3A_14], %swap3A_17 {strides = array<i32>} : memref<128xf32, #tpu.memory_space<vmem>>, vector<16xf32>,
    %broadcast_in_dim3A_18 = arith.constant 1.000000e+00 : f32
    %broadcast_in_dim3A_19 = vector.broadcast %broadcast_in_dim3A_18 : f32 to vector<16xf32>
    %swap3A_20 = arith.constant 32 : index
    %swap3A_21 = tpu.vector_load %arg8[%swap3A_20] {strides = array<i32>} : memref<128xf32, #tpu.memory_space<vmem>>, vector<16xf32>,
    %swap3A_22 = vector.shape_cast %swap3A_21 : vector<16xf32> to vector<16xf32>
    %swap3A_23 = vector.shape_cast %broadcast_in_dim3A_19 : vector<16xf32> to vector<16xf32>
    tpu.vector_store %arg8[%swap3A_20], %swap3A_23 {strides = array<i32>} : memref<128xf32, #tpu.memory_space<vmem>>, vector<16xf32>,
    %broadcast_in_dim3A_24 = arith.constant 1.000000e+00 : f32
    %broadcast_in_dim3A_25 = vector.broadcast %broadcast_in_dim3A_24 : f32 to vector<16xf32>
    %swap3A_26 = arith.constant 48 : index
    %swap3A_27 = tpu.vector_load %arg8[%swap3A_26] {strides = array<i32>} : memref<128xf32, #tpu.memory_space<vmem>>, vector<16xf32>,
    %swap3A_28 = vector.shape_cast %swap3A_27 : vector<16xf32> to vector<16xf32>
    %swap3A_29 = vector.shape_cast %broadcast_in_dim3A_25 : vector<16xf32> to vector<16xf32>
    tpu.vector_store %arg8[%swap3A_26], %swap3A_29 {strides = array<i32>} : memref<128xf32, #tpu.memory_space<vmem>>, vector<16xf32>,
    %broadcast_in_dim3A_30 = arith.constant 1.000000e+00 : f32
    %broadcast_in_dim3A_31 = vector.broadcast %broadcast_in_dim3A_30 : f32 to vector<16xf32>
    %swap3A_32 = arith.constant 64 : index
    %swap3A_33 = tpu.vector_load %arg8[%swap3A_32] {strides = array<i32>} : memref<128xf32, #tpu.memory_space<vmem>>, vector<16xf32>,
    %swap3A_34 = vector.shape_cast %swap3A_33 : vector<16xf32> to vector<16xf32>
    %swap3A_35 = vector.shape_cast %broadcast_in_dim3A_31 : vector<16xf32> to vector<16xf32>
    tpu.vector_store %arg8[%swap3A_32], %swap3A_35 {strides = array<i32>} : memref<128xf32, #tpu.memory_space<vmem>>, vector<16xf32>,
    %broadcast_in_dim3A_36 = arith.constant 1.000000e+00 : f32
    %broadcast_in_dim3A_37 = vector.broadcast %broadcast_in_dim3A_36 : f32 to vector<16xf32>
    %swap3A_38 = arith.constant 80 : index
    %swap3A_39 = tpu.vector_load %arg8[%swap3A_38] {strides = array<i32>} : memref<128xf32, #tpu.memory_space<vmem>>, vector<16xf32>,
    %swap3A_40 = vector.shape_cast %swap3A_39 : vector<16xf32> to vector<16xf32>
    %swap3A_41 = vector.shape_cast %broadcast_in_dim3A_37 : vector<16xf32> to vector<16xf32>
    tpu.vector_store %arg8[%swap3A_38], %swap3A_41 {strides = array<i32>} : memref<128xf32, #tpu.memory_space<vmem>>, vector<16xf32>,
    %broadcast_in_dim3A_42 = arith.constant 1.000000e+00 : f32
    %broadcast_in_dim3A_43 = vector.broadcast %broadcast_in_dim3A_42 : f32 to vector<16xf32>
    %swap3A_44 = arith.constant 96 : index
    %swap3A_45 = tpu.vector_load %arg8[%swap3A_44] {strides = array<i32>} : memref<128xf32, #tpu.memory_space<vmem>>, vector<16xf32>,
    %swap3A_46 = vector.shape_cast %swap3A_45 : vector<16xf32> to vector<16xf32>
    %swap3A_47 = vector.shape_cast %broadcast_in_dim3A_43 : vector<16xf32> to vector<16xf32>
    tpu.vector_store %arg8[%swap3A_44], %swap3A_47 {strides = array<i32>} : memref<128xf32, #tpu.memory_space<vmem>>, vector<16xf32>,
    %broadcast_in_dim3A_48 = arith.constant 1.000000e+00 : f32
    %broadcast_in_dim3A_49 = vector.broadcast %broadcast_in_dim3A_48 : f32 to vector<16xf32>
    %swap3A_50 = arith.constant 112 : index
    %swap3A_51 = tpu.vector_load %arg8[%swap3A_50] {strides = array<i32>} : memref<128xf32, #tpu.memory_space<vmem>>, vector<16xf32>,
    %swap3A_52 = vector.shape_cast %swap3A_51 : vector<16xf32> to vector<16xf32>
    %swap3A_53 = vector.shape_cast %broadcast_in_dim3A_49 : vector<16xf32> to vector<16xf32>
    tpu.vector_store %arg8[%swap3A_50], %swap3A_53 {strides = array<i32>} : memref<128xf32, #tpu.memory_space<vmem>>, vector<16xf32>,
    %mul3A_54 = arith.constant 632 : i32
    %mul3A_55 = arith.muli %arg1, %mul3A_54 : i32
    "tpu.region"() ({
      %run_scoped3A = tpu.sem_alloc : memref<!tpu.dma_semaphore, #tpu.memory_space<semaphore_mem>>
      %dma_start3A = arith.constant 0 : i32
      %dma_start3A_65 = tpu.memref_slice %arg9[%dma_start3A] : memref<640xf32, #tpu.memory_space<vmem>> -> memref<632xf32, #tpu.memory_space<vmem>>
      %dma_start3A_66 = tpu.memref_slice %arg10[%mul3A_55] : memref<10112xf32, #tpu.memory_space<vmem_shared>> -> memref<632xf32, #tpu.memory_space<vmem_shared>>
      %dma_start3A_67 = tpu.memref_slice %arg10[%mul3A_55] : memref<10112xf32, #tpu.memory_space<vmem_shared>> -> memref<632xf32, #tpu.memory_space<vmem_shared>>
      %dma_start3A_68 = arith.constant 0 : i32
      %dma_start3A_69 = tpu.memref_slice %arg9[%dma_start3A_68] : memref<640xf32, #tpu.memory_space<vmem>> -> memref<632xf32, #tpu.memory_space<vmem>>
      tpu.enqueue_dma source(%dma_start3A_69 : memref<632xf32, #tpu.memory_space<vmem>>) target(%dma_start3A_67 : memref<632xf32, #tpu.memory_space<vmem_shared>>) target_semaphore(%run_scoped3A : memref<!tpu.dma_semaphore, #tpu.memory_space<semaphore_mem>>)
      %dma_wait3A = arith.constant 0 : i32
      %dma_wait3A_70 = tpu.memref_slice %arg9[%dma_wait3A] : memref<640xf32, #tpu.memory_space<vmem>> -> memref<632xf32, #tpu.memory_space<vmem>>
      %dma_wait3A_71 = tpu.memref_slice %arg10[%mul3A_55] : memref<10112xf32, #tpu.memory_space<vmem_shared>> -> memref<632xf32, #tpu.memory_space<vmem_shared>>
      %dma_wait3A_72 = tpu.memref_slice %arg10[%mul3A_55] : memref<10112xf32, #tpu.memory_space<vmem_shared>> -> memref<632xf32, #tpu.memory_space<vmem_shared>>
      %dma_wait3A_73 = arith.constant 0 : i32
      %dma_wait3A_74 = tpu.memref_slice %arg9[%dma_wait3A_73] : memref<640xf32, #tpu.memory_space<vmem>> -> memref<632xf32, #tpu.memory_space<vmem>>
      tpu.wait_dma2 semaphore(%run_scoped3A : memref<!tpu.dma_semaphore, #tpu.memory_space<semaphore_mem>>) src(%dma_wait3A_74 : memref<632xf32, #tpu.memory_space<vmem>>) dst(%dma_wait3A_72 : memref<632xf32, #tpu.memory_space<vmem_shared>>)
      tpu.yield
    }) : () -> ()
    %barrier3A = arith.constant 0 : index
    tpu.barrier barrier_id(%barrier3A)
    %scan3A_56 = arith.constant 0 : i32
    %scan3A_57 = arith.constant 0 : i32
    %scan3A_58 = arith.constant 20 : i32
    %scan3A_59 = arith.addi %scan3A_57, %scan3A_58 : i32
    %scan3A_60 = arith.constant 1 : i32
    scf.for %scan3A_65 = %scan3A_57 to %scan3A_59 step %scan3A_60  : i32 {
      %mul3A_66 = arith.constant 4 : i32
      %mul3A_67 = arith.muli %scan3A_65, %mul3A_66 : i32
      %add3A_68 = arith.constant 0 : i32
      %add3A_69 = arith.addi %mul3A_67, %add3A_68 : i32
      %mul3A_70 = arith.constant 128 : i32
      %mul3A_71 = arith.muli %add3A_69, %mul3A_70 : i32
      %add3A_72 = arith.addi %mul3A_2, %mul3A_71 : i32
      %dma_start3A = tpu.memref_slice %arg2[%add3A_72] : memref<327680xi32, #tpu.memory_space<hbm>> -> memref<128xi32, #tpu.memory_space<hbm>>
      %dma_start3A_73 = tpu.memref_slice %arg2[%add3A_72] : memref<327680xi32, #tpu.memory_space<hbm>> -> memref<128xi32, #tpu.memory_space<hbm>>
      tpu.enqueue_dma source(%dma_start3A_73 : memref<128xi32, #tpu.memory_space<hbm>>) target(%arg4 : memref<128xi32, #tpu.memory_space<vmem>>) target_semaphore(%arg11 : memref<!tpu.dma_semaphore, #tpu.memory_space<semaphore_mem>>)
      %mul3A_74 = arith.constant 4 : i32
      %mul3A_75 = arith.muli %scan3A_65, %mul3A_74 : i32
      %add3A_76 = arith.constant 1 : i32
      %add3A_77 = arith.addi %mul3A_75, %add3A_76 : i32
      %mul3A_78 = arith.constant 128 : i32
      %mul3A_79 = arith.muli %add3A_77, %mul3A_78 : i32
      %add3A_80 = arith.addi %mul3A_2, %mul3A_79 : i32
      %dma_start3A_81 = tpu.memref_slice %arg2[%add3A_80] : memref<327680xi32, #tpu.memory_space<hbm>> -> memref<128xi32, #tpu.memory_space<hbm>>
      %dma_start3A_82 = tpu.memref_slice %arg2[%add3A_80] : memref<327680xi32, #tpu.memory_space<hbm>> -> memref<128xi32, #tpu.memory_space<hbm>>
      tpu.enqueue_dma source(%dma_start3A_82 : memref<128xi32, #tpu.memory_space<hbm>>) target(%arg5 : memref<128xi32, #tpu.memory_space<vmem>>) target_semaphore(%arg12 : memref<!tpu.dma_semaphore, #tpu.memory_space<semaphore_mem>>)
      %mul3A_83 = arith.constant 4 : i32
      %mul3A_84 = arith.muli %scan3A_65, %mul3A_83 : i32
      %add3A_85 = arith.constant 2 : i32
      %add3A_86 = arith.addi %mul3A_84, %add3A_85 : i32
      %mul3A_87 = arith.constant 128 : i32
      %mul3A_88 = arith.muli %add3A_86, %mul3A_87 : i32
      %add3A_89 = arith.addi %mul3A_2, %mul3A_88 : i32
      %dma_start3A_90 = tpu.memref_slice %arg2[%add3A_89] : memref<327680xi32, #tpu.memory_space<hbm>> -> memref<128xi32, #tpu.memory_space<hbm>>
      %dma_start3A_91 = tpu.memref_slice %arg2[%add3A_89] : memref<327680xi32, #tpu.memory_space<hbm>> -> memref<128xi32, #tpu.memory_space<hbm>>
      tpu.enqueue_dma source(%dma_start3A_91 : memref<128xi32, #tpu.memory_space<hbm>>) target(%arg6 : memref<128xi32, #tpu.memory_space<vmem>>) target_semaphore(%arg13 : memref<!tpu.dma_semaphore, #tpu.memory_space<semaphore_mem>>)
      %mul3A_92 = arith.constant 4 : i32
      %mul3A_93 = arith.muli %scan3A_65, %mul3A_92 : i32
      %add3A_94 = arith.constant 3 : i32
      %add3A_95 = arith.addi %mul3A_93, %add3A_94 : i32
      %mul3A_96 = arith.constant 128 : i32
      %mul3A_97 = arith.muli %add3A_95, %mul3A_96 : i32
      %add3A_98 = arith.addi %mul3A_2, %mul3A_97 : i32
      %dma_start3A_99 = tpu.memref_slice %arg2[%add3A_98] : memref<327680xi32, #tpu.memory_space<hbm>> -> memref<128xi32, #tpu.memory_space<hbm>>
      %dma_start3A_100 = tpu.memref_slice %arg2[%add3A_98] : memref<327680xi32, #tpu.memory_space<hbm>> -> memref<128xi32, #tpu.memory_space<hbm>>
      tpu.enqueue_dma source(%dma_start3A_100 : memref<128xi32, #tpu.memory_space<hbm>>) target(%arg7 : memref<128xi32, #tpu.memory_space<vmem>>) target_semaphore(%arg14 : memref<!tpu.dma_semaphore, #tpu.memory_space<semaphore_mem>>)
      %dma_wait3A = tpu.memref_slice %arg2[%add3A_72] : memref<327680xi32, #tpu.memory_space<hbm>> -> memref<128xi32, #tpu.memory_space<hbm>>
      %dma_wait3A_101 = tpu.memref_slice %arg2[%add3A_72] : memref<327680xi32, #tpu.memory_space<hbm>> -> memref<128xi32, #tpu.memory_space<hbm>>
      tpu.wait_dma2 semaphore(%arg11 : memref<!tpu.dma_semaphore, #tpu.memory_space<semaphore_mem>>) src(%dma_wait3A_101 : memref<128xi32, #tpu.memory_space<hbm>>) dst(%arg4 : memref<128xi32, #tpu.memory_space<vmem>>)
      %dma_start3A_102 = arith.constant 0 : i32
      %dma_start3A_103 = tpu.memref_slice %arg10[%dma_start3A_102] : memref<10112xf32, #tpu.memory_space<vmem_shared>> -> memref<10112xf32, #tpu.memory_space<vmem_shared>>
      tpu.enqueue_indirect_dma source(%arg8 : memref<128xf32, #tpu.memory_space<vmem>>) target(%dma_start3A_103 : memref<10112xf32, #tpu.memory_space<vmem_shared>>) offsets(%arg4 : memref<128xi32, #tpu.memory_space<vmem>>) semaphore(%arg15 : memref<!tpu.dma_semaphore, #tpu.memory_space<semaphore_mem>>) {add = true}
      %dma_wait3A_104 = tpu.memref_slice %arg2[%add3A_80] : memref<327680xi32, #tpu.memory_space<hbm>> -> memref<128xi32, #tpu.memory_space<hbm>>
      %dma_wait3A_105 = tpu.memref_slice %arg2[%add3A_80] : memref<327680xi32, #tpu.memory_space<hbm>> -> memref<128xi32, #tpu.memory_space<hbm>>
      tpu.wait_dma2 semaphore(%arg12 : memref<!tpu.dma_semaphore, #tpu.memory_space<semaphore_mem>>) src(%dma_wait3A_105 : memref<128xi32, #tpu.memory_space<hbm>>) dst(%arg5 : memref<128xi32, #tpu.memory_space<vmem>>)
      %dma_start3A_106 = arith.constant 0 : i32
      %dma_start3A_107 = tpu.memref_slice %arg10[%dma_start3A_106] : memref<10112xf32, #tpu.memory_space<vmem_shared>> -> memref<10112xf32, #tpu.memory_space<vmem_shared>>
      tpu.enqueue_indirect_dma source(%arg8 : memref<128xf32, #tpu.memory_space<vmem>>) target(%dma_start3A_107 : memref<10112xf32, #tpu.memory_space<vmem_shared>>) offsets(%arg5 : memref<128xi32, #tpu.memory_space<vmem>>) semaphore(%arg16 : memref<!tpu.dma_semaphore, #tpu.memory_space<semaphore_mem>>) {add = true}
      %dma_wait3A_108 = tpu.memref_slice %arg2[%add3A_89] : memref<327680xi32, #tpu.memory_space<hbm>> -> memref<128xi32, #tpu.memory_space<hbm>>
      %dma_wait3A_109 = tpu.memref_slice %arg2[%add3A_89] : memref<327680xi32, #tpu.memory_space<hbm>> -> memref<128xi32, #tpu.memory_space<hbm>>
      tpu.wait_dma2 semaphore(%arg13 : memref<!tpu.dma_semaphore, #tpu.memory_space<semaphore_mem>>) src(%dma_wait3A_109 : memref<128xi32, #tpu.memory_space<hbm>>) dst(%arg6 : memref<128xi32, #tpu.memory_space<vmem>>)
      %dma_start3A_110 = arith.constant 0 : i32
      %dma_start3A_111 = tpu.memref_slice %arg10[%dma_start3A_110] : memref<10112xf32, #tpu.memory_space<vmem_shared>> -> memref<10112xf32, #tpu.memory_space<vmem_shared>>
      tpu.enqueue_indirect_dma source(%arg8 : memref<128xf32, #tpu.memory_space<vmem>>) target(%dma_start3A_111 : memref<10112xf32, #tpu.memory_space<vmem_shared>>) offsets(%arg6 : memref<128xi32, #tpu.memory_space<vmem>>) semaphore(%arg17 : memref<!tpu.dma_semaphore, #tpu.memory_space<semaphore_mem>>) {add = true}
      %dma_wait3A_112 = tpu.memref_slice %arg2[%add3A_98] : memref<327680xi32, #tpu.memory_space<hbm>> -> memref<128xi32, #tpu.memory_space<hbm>>
      %dma_wait3A_113 = tpu.memref_slice %arg2[%add3A_98] : memref<327680xi32, #tpu.memory_space<hbm>> -> memref<128xi32, #tpu.memory_space<hbm>>
      tpu.wait_dma2 semaphore(%arg14 : memref<!tpu.dma_semaphore, #tpu.memory_space<semaphore_mem>>) src(%dma_wait3A_113 : memref<128xi32, #tpu.memory_space<hbm>>) dst(%arg7 : memref<128xi32, #tpu.memory_space<vmem>>)
      %dma_start3A_114 = arith.constant 0 : i32
      %dma_start3A_115 = tpu.memref_slice %arg10[%dma_start3A_114] : memref<10112xf32, #tpu.memory_space<vmem_shared>> -> memref<10112xf32, #tpu.memory_space<vmem_shared>>
      tpu.enqueue_indirect_dma source(%arg8 : memref<128xf32, #tpu.memory_space<vmem>>) target(%dma_start3A_115 : memref<10112xf32, #tpu.memory_space<vmem_shared>>) offsets(%arg7 : memref<128xi32, #tpu.memory_space<vmem>>) semaphore(%arg18 : memref<!tpu.dma_semaphore, #tpu.memory_space<semaphore_mem>>) {add = true}
      %dma_wait3A_116 = arith.constant 0 : i32
      %dma_wait3A_117 = tpu.memref_slice %arg10[%dma_wait3A_116] : memref<10112xf32, #tpu.memory_space<vmem_shared>> -> memref<10112xf32, #tpu.memory_space<vmem_shared>>
      tpu.wait_indirect_dma semaphore(%arg15 : memref<!tpu.dma_semaphore, #tpu.memory_space<semaphore_mem>>) src(%arg8 : memref<128xf32, #tpu.memory_space<vmem>>) dst(%dma_wait3A_117 : memref<10112xf32, #tpu.memory_space<vmem_shared>>)
      %dma_wait3A_118 = arith.constant 0 : i32
      %dma_wait3A_119 = tpu.memref_slice %arg10[%dma_wait3A_118] : memref<10112xf32, #tpu.memory_space<vmem_shared>> -> memref<10112xf32, #tpu.memory_space<vmem_shared>>
      tpu.wait_indirect_dma semaphore(%arg16 : memref<!tpu.dma_semaphore, #tpu.memory_space<semaphore_mem>>) src(%arg8 : memref<128xf32, #tpu.memory_space<vmem>>) dst(%dma_wait3A_119 : memref<10112xf32, #tpu.memory_space<vmem_shared>>)
      %dma_wait3A_120 = arith.constant 0 : i32
      %dma_wait3A_121 = tpu.memref_slice %arg10[%dma_wait3A_120] : memref<10112xf32, #tpu.memory_space<vmem_shared>> -> memref<10112xf32, #tpu.memory_space<vmem_shared>>
      tpu.wait_indirect_dma semaphore(%arg17 : memref<!tpu.dma_semaphore, #tpu.memory_space<semaphore_mem>>) src(%arg8 : memref<128xf32, #tpu.memory_space<vmem>>) dst(%dma_wait3A_121 : memref<10112xf32, #tpu.memory_space<vmem_shared>>)
      %dma_wait3A_122 = arith.constant 0 : i32
      %dma_wait3A_123 = tpu.memref_slice %arg10[%dma_wait3A_122] : memref<10112xf32, #tpu.memory_space<vmem_shared>> -> memref<10112xf32, #tpu.memory_space<vmem_shared>>
      tpu.wait_indirect_dma semaphore(%arg18 : memref<!tpu.dma_semaphore, #tpu.memory_space<semaphore_mem>>) src(%arg8 : memref<128xf32, #tpu.memory_space<vmem>>) dst(%dma_wait3A_123 : memref<10112xf32, #tpu.memory_space<vmem_shared>>)
    }
    %scan3A_61 = arith.constant 20 : i32
    %barrier3A_62 = arith.constant 0 : index
    tpu.barrier barrier_id(%barrier3A_62)
    %mul3A_63 = arith.constant 632 : i32
    %mul3A_64 = arith.muli %arg1, %mul3A_63 : i32
    "tpu.region"() ({
      %run_scoped3A = tpu.sem_alloc : memref<!tpu.dma_semaphore, #tpu.memory_space<semaphore_mem>>
      %dma_start3A = arith.constant 0 : i32
      %dma_start3A_65 = tpu.memref_slice %arg9[%dma_start3A] : memref<640xf32, #tpu.memory_space<vmem>> -> memref<632xf32, #tpu.memory_space<vmem>>
      %dma_start3A_66 = tpu.memref_slice %arg10[%mul3A_64] : memref<10112xf32, #tpu.memory_space<vmem_shared>> -> memref<632xf32, #tpu.memory_space<vmem_shared>>
      %dma_start3A_67 = arith.constant 0 : i32
      %dma_start3A_68 = tpu.memref_slice %arg9[%dma_start3A_67] : memref<640xf32, #tpu.memory_space<vmem>> -> memref<632xf32, #tpu.memory_space<vmem>>
      %dma_start3A_69 = tpu.memref_slice %arg10[%mul3A_64] : memref<10112xf32, #tpu.memory_space<vmem_shared>> -> memref<632xf32, #tpu.memory_space<vmem_shared>>
      tpu.enqueue_dma source(%dma_start3A_69 : memref<632xf32, #tpu.memory_space<vmem_shared>>) target(%dma_start3A_68 : memref<632xf32, #tpu.memory_space<vmem>>) target_semaphore(%run_scoped3A : memref<!tpu.dma_semaphore, #tpu.memory_space<semaphore_mem>>)
      %dma_wait3A = arith.constant 0 : i32
      %dma_wait3A_70 = tpu.memref_slice %arg9[%dma_wait3A] : memref<640xf32, #tpu.memory_space<vmem>> -> memref<632xf32, #tpu.memory_space<vmem>>
      %dma_wait3A_71 = tpu.memref_slice %arg10[%mul3A_64] : memref<10112xf32, #tpu.memory_space<vmem_shared>> -> memref<632xf32, #tpu.memory_space<vmem_shared>>
      %dma_wait3A_72 = arith.constant 0 : i32
      %dma_wait3A_73 = tpu.memref_slice %arg9[%dma_wait3A_72] : memref<640xf32, #tpu.memory_space<vmem>> -> memref<632xf32, #tpu.memory_space<vmem>>
      %dma_wait3A_74 = tpu.memref_slice %arg10[%mul3A_64] : memref<10112xf32, #tpu.memory_space<vmem_shared>> -> memref<632xf32, #tpu.memory_space<vmem_shared>>
      tpu.wait_dma2 semaphore(%run_scoped3A : memref<!tpu.dma_semaphore, #tpu.memory_space<semaphore_mem>>) src(%dma_wait3A_74 : memref<632xf32, #tpu.memory_space<vmem_shared>>) dst(%dma_wait3A_73 : memref<632xf32, #tpu.memory_space<vmem>>)
      tpu.yield
    }) : () -> ()
    "tpu.region"() ({
      %run_scoped3A = tpu.sem_alloc : memref<!tpu.dma_semaphore, #tpu.memory_space<semaphore_mem>>
      %dma_start3A = arith.constant 0 : i32
      %dma_start3A_65 = tpu.memref_slice %arg3[%arg0, %arg1, %dma_start3A] : memref<2x16x640xf32, #tpu.memory_space<hbm>> -> memref<1x1x640xf32, #tpu.memory_space<hbm>>
      %dma_start3A_66 = tpu.memref_squeeze %dma_start3A_65 : memref<1x1x640xf32, #tpu.memory_space<hbm>> -> memref<640xf32, #tpu.memory_space<hbm>>
      %dma_start3A_67 = arith.constant 0 : i32
      %dma_start3A_68 = tpu.memref_slice %arg3[%arg0, %arg1, %dma_start3A_67] : memref<2x16x640xf32, #tpu.memory_space<hbm>> -> memref<1x1x640xf32, #tpu.memory_space<hbm>>
      %dma_start3A_69 = tpu.memref_squeeze %dma_start3A_68 : memref<1x1x640xf32, #tpu.memory_space<hbm>> -> memref<640xf32, #tpu.memory_space<hbm>>
      tpu.enqueue_dma source(%arg9 : memref<640xf32, #tpu.memory_space<vmem>>) target(%dma_start3A_69 : memref<640xf32, #tpu.memory_space<hbm>>) target_semaphore(%run_scoped3A : memref<!tpu.dma_semaphore, #tpu.memory_space<semaphore_mem>>)
      %dma_wait3A = arith.constant 0 : i32
      %dma_wait3A_70 = tpu.memref_slice %arg3[%arg0, %arg1, %dma_wait3A] : memref<2x16x640xf32, #tpu.memory_space<hbm>> -> memref<1x1x640xf32, #tpu.memory_space<hbm>>
      %dma_wait3A_71 = tpu.memref_squeeze %dma_wait3A_70 : memref<1x1x640xf32, #tpu.memory_space<hbm>> -> memref<640xf32, #tpu.memory_space<hbm>>
      %dma_wait3A_72 = arith.constant 0 : i32
      %dma_wait3A_73 = tpu.memref_slice %arg3[%arg0, %arg1, %dma_wait3A_72] : memref<2x16x640xf32, #tpu.memory_space<hbm>> -> memref<1x1x640xf32, #tpu.memory_space<hbm>>
      %dma_wait3A_74 = tpu.memref_squeeze %dma_wait3A_73 : memref<1x1x640xf32, #tpu.memory_space<hbm>> -> memref<640xf32, #tpu.memory_space<hbm>>
      tpu.wait_dma2 semaphore(%run_scoped3A : memref<!tpu.dma_semaphore, #tpu.memory_space<semaphore_mem>>) src(%arg9 : memref<640xf32, #tpu.memory_space<vmem>>) dst(%dma_wait3A_74 : memref<640xf32, #tpu.memory_space<hbm>>)
      tpu.yield
    }) : () -> ()
    return
  }
}

module attributes {stable_mosaic.version = 14 : i64} {
  func.func @_dense_body(%arg0: i32, %arg1: memref<1000x128xf32, #tpu.memory_space<vmem>>, %arg2: memref<1000x1xf32, #tpu.memory_space<vmem>>, %arg3: memref<128x128xf32, #tpu.memory_space<vmem>>, %arg4: memref<1x128xf32, #tpu.memory_space<vmem>>, %arg5: memref<128x128xf32, #tpu.memory_space<vmem>>, %arg6: memref<1x128xf32, #tpu.memory_space<vmem>>, %arg7: memref<128x64xf32, #tpu.memory_space<vmem>>, %arg8: memref<1x64xf32, #tpu.memory_space<vmem>>, %arg9: memref<128x64xf32, #tpu.memory_space<vmem>>, %arg10: memref<1x64xf32, #tpu.memory_space<vmem>>, %arg11: memref<1000x128xf32, #tpu.memory_space<vmem>>) attributes {dimension_semantics = [#tpu.dimension_semantics<arbitrary>], iteration_bounds = array<i64: 10>, scalar_prefetch = 0 : i64, scratch_operands = 0 : i64, tpu.core_type = #tpu.core_type<tc>, window_params = [{transform_indices = @transform_0, window_bounds = array<i64: 1000, 128>}, {transform_indices = @transform_1, window_bounds = array<i64: 1000, 1>}, {pipeline_mode = #tpu.pipeline_mode<synchronous>, transform_indices = @transform_2, window_bounds = array<i64: 128, 128>}, {pipeline_mode = #tpu.pipeline_mode<synchronous>, transform_indices = @transform_3, window_bounds = array<i64: 1, 128>}, {pipeline_mode = #tpu.pipeline_mode<synchronous>, transform_indices = @transform_4, window_bounds = array<i64: 128, 128>}, {pipeline_mode = #tpu.pipeline_mode<synchronous>, transform_indices = @transform_5, window_bounds = array<i64: 1, 128>}, {pipeline_mode = #tpu.pipeline_mode<synchronous>, transform_indices = @transform_6, window_bounds = array<i64: 128, 64>}, {pipeline_mode = #tpu.pipeline_mode<synchronous>, transform_indices = @transform_7, window_bounds = array<i64: 1, 64>}, {pipeline_mode = #tpu.pipeline_mode<synchronous>, transform_indices = @transform_8, window_bounds = array<i64: 128, 64>}, {pipeline_mode = #tpu.pipeline_mode<synchronous>, transform_indices = @transform_9, window_bounds = array<i64: 1, 64>}, {transform_indices = @transform_10, window_bounds = array<i64: 1000, 128>}]} {
    %get3A = arith.constant 0 : index
    %get3A_0 = arith.constant 0 : index
    %get3A_1 = vector.load %arg1[%get3A, %get3A_0] : memref<1000x128xf32, #tpu.memory_space<vmem>>, vector<1000x128xf32>
    %get3A_2 = arith.constant 0 : index
    %get3A_3 = arith.constant 0 : index
    %get3A_4 = vector.load %arg3[%get3A_2, %get3A_3] : memref<128x128xf32, #tpu.memory_space<vmem>>, vector<128x128xf32>
    %dot_general3A = arith.constant dense<0.000000e+00> : vector<1000x128xf32>
    %dot_general3A_5 = tpu.matmul %get3A_1, %get3A_4, %dot_general3A {dimension_numbers = #tpu.dot_dimension_numbers<[1], [0], [0], [1], [0, 0, 1, 1], [], []>, transpose_lhs_hint = false} : vector<1000x128xf32>, vector<128x128xf32>, vector<1000x128xf32> -> vector<1000x128xf32>
    %get3A_6 = arith.constant 0 : index
    %get3A_7 = arith.constant 0 : index
    %get3A_8 = vector.load %arg4[%get3A_6, %get3A_7] : memref<1x128xf32, #tpu.memory_space<vmem>>, vector<1x128xf32>
    %add3A = vector.broadcast %get3A_8 : vector<1x128xf32> to vector<1000x128xf32>
    %add3A_9 = arith.addf %dot_general3A_5, %add3A : vector<1000x128xf32>
    %gt3A = arith.constant 0.000000e+00 : f32
    %gt3A_10 = vector.broadcast %gt3A : f32 to vector<1000x128xf32>
    %gt3A_11 = arith.cmpf ogt, %add3A_9, %gt3A_10 : vector<1000x128xf32>
    %exp3A = math.exp %add3A_9 : vector<1000x128xf32>
    %sub3A = arith.constant 1.000000e+00 : f32
    %sub3A_12 = vector.broadcast %sub3A : f32 to vector<1000x128xf32>
    %sub3A_13 = arith.subf %exp3A, %sub3A_12 : vector<1000x128xf32>
    %select_n3A = arith.select %gt3A_11, %add3A_9, %sub3A_13 : vector<1000x128xi1>, vector<1000x128xf32>
    %get3A_14 = arith.constant 0 : index
    %get3A_15 = arith.constant 0 : index
    %get3A_16 = vector.load %arg5[%get3A_14, %get3A_15] : memref<128x128xf32, #tpu.memory_space<vmem>>, vector<128x128xf32>
    %dot_general3A_17 = arith.constant dense<0.000000e+00> : vector<1000x128xf32>
    %dot_general3A_18 = tpu.matmul %get3A_1, %get3A_16, %dot_general3A_17 {dimension_numbers = #tpu.dot_dimension_numbers<[1], [0], [0], [1], [0, 0, 1, 1], [], []>, transpose_lhs_hint = false} : vector<1000x128xf32>, vector<128x128xf32>, vector<1000x128xf32> -> vector<1000x128xf32>
    %get3A_19 = arith.constant 0 : index
    %get3A_20 = arith.constant 0 : index
    %get3A_21 = vector.load %arg6[%get3A_19, %get3A_20] : memref<1x128xf32, #tpu.memory_space<vmem>>, vector<1x128xf32>
    %add3A_22 = vector.broadcast %get3A_21 : vector<1x128xf32> to vector<1000x128xf32>
    %add3A_23 = arith.addf %dot_general3A_18, %add3A_22 : vector<1000x128xf32>
    %max3A = arith.constant 0.000000e+00 : f32
    %max3A_24 = vector.broadcast %max3A : f32 to vector<1000x128xf32>
    %max3A_25 = arith.maximumf %add3A_23, %max3A_24 : vector<1000x128xf32>
    %get3A_26 = arith.constant 0 : index
    %get3A_27 = arith.constant 0 : index
    %get3A_28 = vector.load %arg7[%get3A_26, %get3A_27] : memref<128x64xf32, #tpu.memory_space<vmem>>, vector<128x64xf32>
    %dot_general3A_29 = arith.constant dense<0.000000e+00> : vector<1000x64xf32>
    %dot_general3A_30 = tpu.matmul %select_n3A, %get3A_28, %dot_general3A_29 {dimension_numbers = #tpu.dot_dimension_numbers<[1], [0], [0], [1], [0, 0, 1, 1], [], []>, transpose_lhs_hint = false} : vector<1000x128xf32>, vector<128x64xf32>, vector<1000x64xf32> -> vector<1000x64xf32>
    %get3A_31 = arith.constant 0 : index
    %get3A_32 = arith.constant 0 : index
    %get3A_33 = vector.load %arg8[%get3A_31, %get3A_32] : memref<1x64xf32, #tpu.memory_space<vmem>>, vector<1x64xf32>
    %add3A_34 = vector.broadcast %get3A_33 : vector<1x64xf32> to vector<1000x64xf32>
    %add3A_35 = arith.addf %dot_general3A_30, %add3A_34 : vector<1000x64xf32>
    %gt3A_36 = arith.constant 0.000000e+00 : f32
    %gt3A_37 = vector.broadcast %gt3A_36 : f32 to vector<1000x64xf32>
    %gt3A_38 = arith.cmpf ogt, %add3A_35, %gt3A_37 : vector<1000x64xf32>
    %exp3A_39 = math.exp %add3A_35 : vector<1000x64xf32>
    %sub3A_40 = arith.constant 1.000000e+00 : f32
    %sub3A_41 = vector.broadcast %sub3A_40 : f32 to vector<1000x64xf32>
    %sub3A_42 = arith.subf %exp3A_39, %sub3A_41 : vector<1000x64xf32>
    %select_n3A_43 = arith.select %gt3A_38, %add3A_35, %sub3A_42 : vector<1000x64xi1>, vector<1000x64xf32>
    %get3A_44 = arith.constant 0 : index
    %get3A_45 = arith.constant 0 : index
    %get3A_46 = vector.load %arg9[%get3A_44, %get3A_45] : memref<128x64xf32, #tpu.memory_space<vmem>>, vector<128x64xf32>
    %dot_general3A_47 = arith.constant dense<0.000000e+00> : vector<1000x64xf32>
    %dot_general3A_48 = tpu.matmul %max3A_25, %get3A_46, %dot_general3A_47 {dimension_numbers = #tpu.dot_dimension_numbers<[1], [0], [0], [1], [0, 0, 1, 1], [], []>, transpose_lhs_hint = false} : vector<1000x128xf32>, vector<128x64xf32>, vector<1000x64xf32> -> vector<1000x64xf32>
    %get3A_49 = arith.constant 0 : index
    %get3A_50 = arith.constant 0 : index
    %get3A_51 = vector.load %arg10[%get3A_49, %get3A_50] : memref<1x64xf32, #tpu.memory_space<vmem>>, vector<1x64xf32>
    %add3A_52 = vector.broadcast %get3A_51 : vector<1x64xf32> to vector<1000x64xf32>
    %add3A_53 = arith.addf %dot_general3A_48, %add3A_52 : vector<1000x64xf32>
    %max3A_54 = arith.constant 0.000000e+00 : f32
    %max3A_55 = vector.broadcast %max3A_54 : f32 to vector<1000x64xf32>
    %max3A_56 = arith.maximumf %add3A_53, %max3A_55 : vector<1000x64xf32>
    %add3A_57 = arith.constant 9.99999997E-7 : f32
    %add3A_58 = vector.broadcast %add3A_57 : f32 to vector<1000x64xf32>
    %add3A_59 = arith.addf %max3A_56, %add3A_58 : vector<1000x64xf32>
    %neg3A = arith.constant 0.000000e+00 : f32
    %neg3A_60 = vector.broadcast %neg3A : f32 to vector<1000x64xf32>
    %neg3A_61 = arith.subf %neg3A_60, %add3A_59 : vector<1000x64xf32>
    %exp3A_62 = math.exp %neg3A_61 : vector<1000x64xf32>
    %get3A_63 = arith.constant 0 : index
    %get3A_64 = arith.constant 0 : index
    %get3A_65 = vector.load %arg2[%get3A_63, %get3A_64] : memref<1000x1xf32, #tpu.memory_space<vmem>>, vector<1000x1xf32>
    %rsqrt3A = math.rsqrt %get3A_65 : vector<1000x1xf32>
    %div3A = arith.constant 1.000000e+00 : f32
    %div3A_66 = vector.broadcast %div3A : f32 to vector<1000x1xf32>
    %div3A_67 = arith.divf %div3A_66, %get3A_65 : vector<1000x1xf32>
    %mul3A = arith.mulf %select_n3A_43, %exp3A_62 : vector<1000x64xf32>
    %mul3A_68 = vector.broadcast %rsqrt3A : vector<1000x1xf32> to vector<1000x64xf32>
    %mul3A_69 = arith.mulf %mul3A_68, %mul3A : vector<1000x64xf32>
    %mul3A_70 = arith.mulf %add3A_59, %exp3A_62 : vector<1000x64xf32>
    %mul3A_71 = arith.mulf %mul3A_70, %exp3A_62 : vector<1000x64xf32>
    %mul3A_72 = vector.broadcast %div3A_67 : vector<1000x1xf32> to vector<1000x64xf32>
    %mul3A_73 = arith.mulf %mul3A_72, %mul3A_71 : vector<1000x64xf32>
    %concatenate3A = tpu.concatenate %mul3A_69, %mul3A_73 in 1 : vector<1000x64xf32>, vector<1000x64xf32> -> vector<1000x128xf32>
    %swap3A = arith.constant 0 : index
    %swap3A_74 = arith.constant 0 : index
    %swap3A_75 = vector.load %arg11[%swap3A, %swap3A_74] : memref<1000x128xf32, #tpu.memory_space<vmem>>, vector<1000x128xf32>
    tpu.vector_store %arg11[%swap3A, %swap3A_74], %concatenate3A {strides = array<i32>} : memref<1000x128xf32, #tpu.memory_space<vmem>>, vector<1000x128xf32>,
    return
  }
  func.func @transform_0(%arg0: i32) -> (i32, i32) {
    %c0_i32 = arith.constant 0 : i32
    %c0_i32_0 = arith.constant 0 : i32
    return %arg0, %c0_i32 : i32, i32
  }
  func.func @transform_1(%arg0: i32) -> (i32, i32) {
    %c0_i32 = arith.constant 0 : i32
    %c0_i32_0 = arith.constant 0 : i32
    return %arg0, %c0_i32 : i32, i32
  }
  func.func @transform_2(%arg0: i32) -> (i32, i32) {
    %c0_i32 = arith.constant 0 : i32
    %c0_i32_0 = arith.constant 0 : i32
    %c0_i32_1 = arith.constant 0 : i32
    return %c0_i32, %c0_i32_0 : i32, i32
  }
  func.func @transform_3(%arg0: i32) -> (i32, i32) {
    %c0_i32 = arith.constant 0 : i32
    %c0_i32_0 = arith.constant 0 : i32
    %c0_i32_1 = arith.constant 0 : i32
    return %c0_i32, %c0_i32_0 : i32, i32
  }
  func.func @transform_4(%arg0: i32) -> (i32, i32) {
    %c0_i32 = arith.constant 0 : i32
    %c0_i32_0 = arith.constant 0 : i32
    %c0_i32_1 = arith.constant 0 : i32
    return %c0_i32, %c0_i32_0 : i32, i32
  }
  func.func @transform_5(%arg0: i32) -> (i32, i32) {
    %c0_i32 = arith.constant 0 : i32
    %c0_i32_0 = arith.constant 0 : i32
    %c0_i32_1 = arith.constant 0 : i32
    return %c0_i32, %c0_i32_0 : i32, i32
  }
  func.func @transform_6(%arg0: i32) -> (i32, i32) {
    %c0_i32 = arith.constant 0 : i32
    %c0_i32_0 = arith.constant 0 : i32
    %c0_i32_1 = arith.constant 0 : i32
    return %c0_i32, %c0_i32_0 : i32, i32
  }
  func.func @transform_7(%arg0: i32) -> (i32, i32) {
    %c0_i32 = arith.constant 0 : i32
    %c0_i32_0 = arith.constant 0 : i32
    %c0_i32_1 = arith.constant 0 : i32
    return %c0_i32, %c0_i32_0 : i32, i32
  }
  func.func @transform_8(%arg0: i32) -> (i32, i32) {
    %c0_i32 = arith.constant 0 : i32
    %c0_i32_0 = arith.constant 0 : i32
    %c0_i32_1 = arith.constant 0 : i32
    return %c0_i32, %c0_i32_0 : i32, i32
  }
  func.func @transform_9(%arg0: i32) -> (i32, i32) {
    %c0_i32 = arith.constant 0 : i32
    %c0_i32_0 = arith.constant 0 : i32
    %c0_i32_1 = arith.constant 0 : i32
    return %c0_i32, %c0_i32_0 : i32, i32
  }
  func.func @transform_10(%arg0: i32) -> (i32, i32) {
    %c0_i32 = arith.constant 0 : i32
    %c0_i32_0 = arith.constant 0 : i32
    return %arg0, %c0_i32 : i32, i32
  }
}

module attributes {stable_mosaic.version = 14 : i64} {
  func.func @_final_body(%arg0: i32, %arg1: memref<2x1000x128xf32, #tpu.memory_space<vmem>>, %arg2: memref<1000x128xf32, #tpu.memory_space<vmem>>, %arg3: memref<1000x1xf32, #tpu.memory_space<vmem>>, %arg4: memref<1000x64xf32, #tpu.memory_space<vmem>>, %arg5: memref<1000x64xf32, #tpu.memory_space<vmem>>) attributes {dimension_semantics = [#tpu.dimension_semantics<arbitrary>], iteration_bounds = array<i64: 10>, scalar_prefetch = 0 : i64, scratch_operands = 0 : i64, tpu.core_type = #tpu.core_type<tc>, window_params = [{transform_indices = @transform_0, window_bounds = array<i64: 2, 1000, 128>}, {transform_indices = @transform_1, window_bounds = array<i64: 1000, 128>}, {transform_indices = @transform_2, window_bounds = array<i64: 1000, 1>}, {transform_indices = @transform_3, window_bounds = array<i64: 1000, 64>}, {transform_indices = @transform_4, window_bounds = array<i64: 1000, 64>}]} {
    %get3A = arith.constant 0 : index
    %get3A_0 = arith.constant 0 : index
    %get3A_1 = vector.load %arg3[%get3A, %get3A_0] : memref<1000x1xf32, #tpu.memory_space<vmem>>, vector<1000x1xf32>
    %rsqrt3A = math.rsqrt %get3A_1 : vector<1000x1xf32>
    %div3A = arith.constant 1.000000e+00 : f32
    %div3A_2 = vector.broadcast %div3A : f32 to vector<1000x1xf32>
    %div3A_3 = arith.divf %div3A_2, %get3A_1 : vector<1000x1xf32>
    %get3A_4 = arith.constant 0 : index
    %get3A_5 = arith.constant 0 : index
    %get3A_6 = arith.constant 0 : index
    %get3A_7 = vector.load %arg1[%get3A_4, %get3A_5, %get3A_6] : memref<2x1000x128xf32, #tpu.memory_space<vmem>>, vector<1x1000x128xf32>
    %get3A_8 = vector.shape_cast %get3A_7 : vector<1x1000x128xf32> to vector<1000x128xf32>
    %get3A_9 = arith.constant 1 : index
    %get3A_10 = arith.constant 0 : index
    %get3A_11 = arith.constant 0 : index
    %get3A_12 = vector.load %arg1[%get3A_9, %get3A_10, %get3A_11] : memref<2x1000x128xf32, #tpu.memory_space<vmem>>, vector<1x1000x128xf32>
    %get3A_13 = vector.shape_cast %get3A_12 : vector<1x1000x128xf32> to vector<1000x128xf32>
    %add3A = arith.addf %get3A_8, %get3A_13 : vector<1000x128xf32>
    %get3A_14 = arith.constant 0 : index
    %get3A_15 = arith.constant 0 : index
    %get3A_16 = vector.load %arg2[%get3A_14, %get3A_15] : memref<1000x128xf32, #tpu.memory_space<vmem>>, vector<1000x128xf32>
    %add3A_17 = arith.addf %add3A, %get3A_16 : vector<1000x128xf32>
    %slice3A = vector.extract_strided_slice %add3A_17 {offsets = [0, 0], sizes = [1000, 64], strides = [1, 1]} : vector<1000x128xf32> to vector<1000x64xf32>
    %mul3A = vector.broadcast %rsqrt3A : vector<1000x1xf32> to vector<1000x64xf32>
    %mul3A_18 = arith.mulf %mul3A, %slice3A : vector<1000x64xf32>
    %slice3A_19 = vector.extract_strided_slice %add3A_17 {offsets = [0, 64], sizes = [1000, 64], strides = [1, 1]} : vector<1000x128xf32> to vector<1000x64xf32>
    %mul3A_20 = vector.broadcast %div3A_3 : vector<1000x1xf32> to vector<1000x64xf32>
    %mul3A_21 = arith.mulf %mul3A_20, %slice3A_19 : vector<1000x64xf32>
    %get3A_22 = arith.constant 0 : index
    %get3A_23 = arith.constant 0 : index
    %get3A_24 = vector.load %arg4[%get3A_22, %get3A_23] : memref<1000x64xf32, #tpu.memory_space<vmem>>, vector<1000x64xf32>
    %sqrt3A = math.sqrt %mul3A_21 : vector<1000x64xf32>
    %mul3A_25 = arith.mulf %get3A_24, %sqrt3A : vector<1000x64xf32>
    %add3A_26 = arith.addf %mul3A_18, %mul3A_25 : vector<1000x64xf32>
    %reduce_max3A = arith.constant dense<0xFF800000> : vector<1000xf32>
    %reduce_max3A_27 = vector.multi_reduction <maximumf>, %add3A_26, %reduce_max3A [1] : vector<1000x64xf32> to vector<1000xf32>
    %broadcast_in_dim3A = vector.shape_cast %reduce_max3A_27 : vector<1000xf32> to vector<1000x1xf32>
    %sub3A = vector.broadcast %broadcast_in_dim3A : vector<1000x1xf32> to vector<1000x64xf32>
    %sub3A_28 = arith.subf %add3A_26, %sub3A : vector<1000x64xf32>
    %exp3A = math.exp %sub3A_28 : vector<1000x64xf32>
    %reduce_sum3A = arith.constant dense<0.000000e+00> : vector<1000xf32>
    %reduce_sum3A_29 = vector.multi_reduction <add>, %exp3A, %reduce_sum3A [1] : vector<1000x64xf32> to vector<1000xf32>
    %broadcast_in_dim3A_30 = vector.shape_cast %reduce_sum3A_29 : vector<1000xf32> to vector<1000x1xf32>
    %log3A = math.log %broadcast_in_dim3A_30 : vector<1000x1xf32>
    %sub3A_31 = vector.broadcast %log3A : vector<1000x1xf32> to vector<1000x64xf32>
    %sub3A_32 = arith.subf %sub3A_28, %sub3A_31 : vector<1000x64xf32>
    %swap3A = arith.constant 0 : index
    %swap3A_33 = arith.constant 0 : index
    %swap3A_34 = vector.load %arg5[%swap3A, %swap3A_33] : memref<1000x64xf32, #tpu.memory_space<vmem>>, vector<1000x64xf32>
    tpu.vector_store %arg5[%swap3A, %swap3A_33], %sub3A_32 {strides = array<i32>} : memref<1000x64xf32, #tpu.memory_space<vmem>>, vector<1000x64xf32>,
    return
  }
  func.func @transform_0(%arg0: i32) -> (i32, i32, i32) {
    %c0_i32 = arith.constant 0 : i32
    %c0_i32_0 = arith.constant 0 : i32
    %c0_i32_1 = arith.constant 0 : i32
    return %c0_i32, %arg0, %c0_i32_0 : i32, i32, i32
  }
  func.func @transform_1(%arg0: i32) -> (i32, i32) {
    %c0_i32 = arith.constant 0 : i32
    %c0_i32_0 = arith.constant 0 : i32
    return %arg0, %c0_i32 : i32, i32
  }
  func.func @transform_2(%arg0: i32) -> (i32, i32) {
    %c0_i32 = arith.constant 0 : i32
    %c0_i32_0 = arith.constant 0 : i32
    return %arg0, %c0_i32 : i32, i32
  }
  func.func @transform_3(%arg0: i32) -> (i32, i32) {
    %c0_i32 = arith.constant 0 : i32
    %c0_i32_0 = arith.constant 0 : i32
    return %arg0, %c0_i32 : i32, i32
  }
  func.func @transform_4(%arg0: i32) -> (i32, i32) {
    %c0_i32 = arith.constant 0 : i32
    %c0_i32_0 = arith.constant 0 : i32
    return %arg0, %c0_i32 : i32, i32
  }
}

</mosaic_0001>

<sc_bundles>
// kernel: kernel.6.cloned.1.call-start
scs
__scs_entry_jumppad:
0x0: {  	(pc) =	sbr.rel $0x88, $3  }
0x1: {  	(tag) =	ssettag $0x0;
	lr =	simm.s32 $0x1  }
0x2: {  	[smem:$0x3F97] =	sst lr;
	_ =	strace $0xD0000000  }
0x3: {  	_ = 	snop  }
0x4: {  	_ = 	snop  }
0x5: {  	_ = 	snop  }
0x6: {  	_ = 	snop  }
0x7: {  	_ = 	snop  }
__scs_overlays_trampoline_lowered:
0x8: {  	[smem:$0x3FA6] =	sst s0  }
0x9: {  	[smem:$0x3FA7] =	sst s1  }
0xa: {  	[smem:$0x3FA8] =	sst s2  }
0xb: {  	[smem:$0x3FA9] =	sst s3  }
0xc: {  	[smem:$0x3FAA] =	sst s4  }
0xd: {  	[smem:$0x3FAB] =	sst s5  }
0xe: {  	[smem:$0x3FAC] =	sst s6  }
0xf: {  	[smem:$0x3FAD] =	sst s7  }
0x10: {  	[smem:$0x3FAE] =	sst s8  }
0x11: {  	[smem:$0x3FAF] =	sst s9;
	s0 =	simm.s32 @!p0 $0x0  }
0x12: {  	s1 =	sld [smem:$0x3F95];
	s0 =	simm.s32 @p0 $0x1  }
0x13: {  	[smem:$0x3FB0] =	sst s0;
	s0 =	simm.s32 @!p1 $0x0  }
0x14: {  	s2 =	sld [smem:$0x3F94];
	s0 =	simm.s32 @p1 $0x1  }
0x15: {  	[smem:$0x3FB1] =	sst s0;
	s0 =	simm.s32 @!p2 $0x0  }
0x16: {  	s3 =	sld [smem:$0x3FDB];
	s0 =	simm.s32 @p2 $0x1  }
0x17: {  	s4 =	simm.s32 $0x1BF5;
	[smem:$0x3FB3] =	sst s0  }
0x18: {  	s0 =	sld [smem:$0x3F96];
	_ =	swait.ge [sflag:s4], $0x0  }
0x19: {  	s7 =	sld [smem:$0x3F97]  }
0x1a: {  	s8 =	sadd.s32 $0xFFFFE003, lr  }
0x1b: {  	s9 =	sadd.s32 $0xFFFFFEF7, lr;
	s5 =	simm.s32 $0xFFFFFFFF;
	p2 =	slt.u32 s8, $0xFFFFF086  }
0x1c: {  	p1 =	slt.u32 s9, $0xF7A;
	s5 =	simm.s32 @!p2 $0x0  }
0x1d: {  	s5 =	simm.s32 @p1 $0x1;
	p0 =	seq.s32 s7, s2  }
0x1e: {  	s7 =	smul.u32 @!p0 $0xF7A, s2;
	p2 =	seq.s32 @!p0 s5, $0x0  }
0x1f: {  	s9 =	smul.u32 $0xF7A, s1;
	s8 =	simm.s32 @!p0 $0x1BF5;
	p2 =	por !p2, p0  }
0x20: {  	[sflag:s8] =	ssyncset.s32 @!p0 $0xFFFFF086;
	s6 =	sadd.s32 @!p0 s3, s7;
	s7 =	simm.s32 @!p0 $0x108  }
0x21: {  	s3 =	sadd.s32 s3, s9;
	s6 =	sadd.s32 @!p0 $0x88, s6;
	s7 =	simm.s32 @p2 $0x1082  }
0x22: {  	[simem:s7], [sflag:s8] =	dma.local @!p0 [hbm:s6], $0xF7A  }
0x23: {  	s9 =	sor.u32 $0xD0000000, s2;
	s6 =	simm.s32 $0x108;
	_ =	swait.ge @!p0 [sflag:s8], $0x0  }
0x24: {  	s3 =	sadd.s32 $0x88, s3;
	s6 =	simm.s32 @!p1 $0x1082;
	[sflag:s4] =	ssyncset.s32 $0xFFFFF086  }
0x25: {  	[simem:s6], [sflag:s4] =	dma.local [hbm:s3], $0xF7A  }
0x26: {  	[smem:$0x3F97] =	sst s1;
	(tag) =	ssettag s2;
	_ =	strace s9  }
0x27: {  	s1 =	sld [smem:$0x3FA7]  }
0x28: {  	s2 =	sld [smem:$0x3FA8]  }
0x29: {  	s4 =	sld [smem:$0x3FAA]  }
0x2a: {  	p0 =	seq.s32 s5, $0x0;
	s5 =	sld [smem:$0x3FAB]  }
0x2b: {  	s6 =	sld [smem:$0x3FAC]  }
0x2c: {  	s7 =	sld [smem:$0x3FAD]  }
0x2d: {  	s3 =	simm.s32 $0x108;
	s8 =	sld [smem:$0x3FAE]  }
0x2e: {  	s3 =	simm.s32 @!p0 $0x1082;
	s9 =	sld [smem:$0x3FAF]  }
0x2f: {  	lr =	sadd.s32 s0, s3;
	s0 =	sld [smem:$0x3FA6]  }
0x30: {  	s3 =	sld [smem:$0x3FA9]  }
0x31: {  	[smem:$0x3FB2] =	sst s10  }
0x32: {  	s10 =	sld [smem:$0x3FB0];
	_ =	sdelay $0x3  }
0x33: {  	p0 =	seq.s32 s10, $0x1;
	s10 =	sld [smem:$0x3FB2];
	_ =	sdelay $0x3  }
0x34: {  	[smem:$0x3FB2] =	sst s10  }
0x35: {  	s10 =	sld [smem:$0x3FB1];
	_ =	sdelay $0x3  }
0x36: {  	p1 =	seq.s32 s10, $0x1;
	s10 =	sld [smem:$0x3FB2];
	_ =	sdelay $0x3  }
0x37: {  	[smem:$0x3FB2] =	sst s10  }
0x38: {  	s10 =	sld [smem:$0x3FB3]  }
0x39: {  	_ = 	snop;
	(pc) =	sbr.ind lr, $3  }
0x3a: {  	_ = 	snop  }
0x3b: {  	_ = 	snop  }
0x3c: {  	p2 =	seq.s32 s10, $0x1;
	s10 =	sld [smem:$0x3FB2]  }
0x3d: {  	_ =	shalt  }
0x3e: {  	_ =	shalt  }
0x3f: {  	_ =	shalt  }
0x40: {  	_ =	shalt  }
0x41: {  	_ =	shalt  }
0x42: {  	_ =	shalt  }
0x43: {  	_ =	shalt  }
0x44: {  	_ =	shalt  }
0x45: {  	_ =	shalt  }
0x46: {  	_ =	shalt  }
0x47: {  	_ =	shalt  }
0x48: {  	_ =	shalt  }
0x49: {  	_ =	shalt  }
0x4a: {  	_ =	shalt  }
0x4b: {  	_ =	shalt  }
0x4c: {  	_ =	shalt  }
0x4d: {  	_ =	shalt  }
0x4e: {  	_ =	shalt  }
0x4f: {  	_ =	shalt  }
0x50: {  	_ =	shalt  }
0x51: {  	_ =	shalt  }
0x52: {  	_ =	shalt  }
0x53: {  	_ =	shalt  }
0x54: {  	_ =	shalt  }
0x55: {  	_ =	shalt  }
0x56: {  	_ =	shalt  }
0x57: {  	_ =	shalt  }
0x58: {  	_ =	shalt  }
0x59: {  	_ =	shalt  }
0x5a: {  	_ =	shalt  }
0x5b: {  	_ =	shalt  }
0x5c: {  	_ =	shalt  }
0x5d: {  	_ =	shalt  }
0x5e: {  	_ =	shalt  }
0x5f: {  	_ =	shalt  }
0x60: {  	_ =	shalt  }
0x61: {  	_ =	shalt  }
0x62: {  	_ =	shalt  }
0x63: {  	_ =	shalt  }
0x64: {  	_ =	shalt  }
0x65: {  	_ =	shalt  }
0x66: {  	_ =	shalt  }
0x67: {  	_ =	shalt  }
0x68: {  	_ =	shalt  }
0x69: {  	_ =	shalt  }
0x6a: {  	_ =	shalt  }
0x6b: {  	_ =	shalt  }
0x6c: {  	_ =	shalt  }
0x6d: {  	_ =	shalt  }
0x6e: {  	_ =	shalt  }
0x6f: {  	_ =	shalt  }
0x70: {  	_ =	shalt  }
0x71: {  	_ =	shalt  }
0x72: {  	_ =	shalt  }
0x73: {  	_ =	shalt  }
0x74: {  	_ =	shalt  }
0x75: {  	_ =	shalt  }
0x76: {  	_ =	shalt  }
0x77: {  	_ =	shalt  }
0x78: {  	_ =	shalt  }
0x79: {  	_ =	shalt  }
0x7a: {  	_ =	shalt  }
0x7b: {  	_ =	shalt  }
0x7c: {  	_ =	shalt  }
0x7d: {  	_ =	shalt  }
0x7e: {  	_ =	shalt  }
0x7f: {  	_ =	shalt  }
0x80: {  	_ =	shalt  }
0x81: {  	_ =	shalt  }
0x82: {  	_ =	shalt  }
0x83: {  	_ =	shalt  }
0x84: {  	_ =	shalt  }
0x85: {  	_ =	shalt  }
0x86: {  	_ =	shalt  }
0x87: {  	_ =	shalt  }
.Lfunc_end0:
.L_simem_size_0:
called_computation_lowered:
.L_overlay_start_0:
0x88: {  	s2 =	sld [smem:$0x3FD9]  }
0x89: {  	s3 =	sld [smem:$0x3FFE];
	_ =	sdelay $0x1  }
0x8a: {  	s1 =	srdreg.scid  }
0x8b: {  	s0 =	sand.u32 $0x1, s1  }
0x8c: {  	s17 =	sshll.u32 s0, $0xA;
	s2 =	sadd.s32 s3, s2  }
0x8d: {  	s2 =	sadd.s32 s2, s17  }
0x8e: {  	[smem:$0x3FBE] =	sst s2  }
0x8f: {  	_ = 	snop  }
0x90: {  	s2 =	sld [smem:$0x3FD0];
	(tm) =	ssettm $0x1  }
0x91: {  	s18 =	sld [smem:$0x3FFB];
	_ =	sdelay $0x3  }
0x92: {  	_ =	strace s18  }
0x93: {  	s3 =	sld [smem:$0x3FFC];
	_ =	sdelay $0x3  }
0x94: {  	_ =	strace s3  }
0x95: {  	s3 =	sld [smem:$0x3FFD];
	_ =	sdelay $0x3  }
0x96: {  	_ =	strace s3  }
0x97: {  	_ =	strace $0x8FFFFFFF  }
0x98: {  	s19 =	sld [smem:$0x3FDB];
	_ =	sdelay $0x1  }
0x99: {  	s4 =	simm.s32 $_scs_section_size  }
0x9a: {  	s5 =	simm.s32 $_size__tile_overlayer_lowered;
	s6 =	simm.s32 $_tile_overlayer_lowered  }
0x9b: {  	s22 =	simm.s32 $0x1BFF;
	s21 =	sshll.u32 s6, $0x1;
	s3 =	sadd.s32 s4, s19  }
0x9c: {  	s7 =	simm.s32 $0x0;
	s20 =	sshll.u32 s5, $0x1;
	s5 =	sadd.s32 s21, s3  }
0x9d: {  	[timem:s7], [sflag:s22] =	dma.local [hbm:s5], s20  }
0x9e: {  	_ =	swait.ge [sflag:s22], s20  }
0x9f: {  	s4 =	ssub.s32 $0x0, s20;
	[sflag:s22] =	ssyncset.done $0x0  }
0xa0: {  	[sflag:s22] =	ssyncadd.s32 s4;
	_ =	sdelay $0x1  }
0xa1: {  	s23 =	simm.s32 $0x1B8B  }
0xa2: {  	_ =	swait.ge [sflag:s23], $0x1  }
0xa3: {  	[sflag:s23] =	ssyncset.done $0x0  }
0xa4: {  	s25 =	simm.s32 $0x1B8E;
	s24 =	sld [smem:$0x3FFE];
	[sflag:s23] =	ssyncadd.s32 $0xFFFFFFFF  }
0xa5: {  	s26 =	simm.s32 $execute0_lowered;
	[smem:$0x3FD2] =	sst s25  }
0xa6: {  	s5 =	sshll.u32 s26, $0x1;
	_ =	strace $0x80000046;
	[dreg:$0x1] =	wrdreg $0xFFFFFFFF  }
0xa7: {  	s28 =	simm.s32 $_size_execute0_lowered;
	s3 =	sadd.s32 s3, s5;
	[dreg:$0x0] =	wrdreg $0x0  }
0xa8: {  	s5 =	sshll.u32 s28, $0x1;
	[dreg:$0x2] =	wrdreg s3  }
0xa9: {  	[dreg:$0x3] =	wrdreg s5  }
0xaa: {  	[dreg:$0x4] =	wrdreg $0xC0  }
0xab: {  	_ =	task [dreg:s7], $0x5FFFF  }
0xac: {  	[dreg:$0x1] =	wrdreg $0xFFFFFFFF  }
0xad: {  	[dreg:$0x0] =	wrdreg $0x60  }
0xae: {  	[dreg:$0x2] =	wrdreg s2  }
0xaf: {  	[dreg:$0x3] =	wrdreg s24  }
0xb0: {  	[dreg:$0x4] =	wrdreg $0x5000  }
0xb1: {  	[dreg:$0x5] =	wrdreg $0x9  }
0xb2: {  	_ =	task.clear_ibuf [dreg:s7], $0x6FFFF;
	_ =	strace $0x90000046  }
0xb3: {  	s29 =	simm.s32 $0x9;
	_ =	strace $0x80000048  }
0xb4: {  	_ =	swait.ge [sflag:s29], $0x1  }
0xb5: {  	[sflag:s29] =	ssyncadd.s32 $0xFFFFFFFF  }
0xb6: {  	_ =	strace $0x90000048  }
0xb7: {  	_ =	sfence  }
0xb8: {  	s30 =	sld [smem:$0x0];
	_ =	sdelay $0x2  }
0xb9: {  	s31 =	sshll.u32 s1, $0xD;
	s1 =	sshrl.u32 s1, $0x2  }
0xba: {  	s3 =	sand.u32 $0x4000, s31;
	s1 =	sadd.s32 s1, s30  }
0xbb: {  	s0 =	sor.u32 s3, s0;
	s1 =	sshll.u32 s1, $0x11  }
0xbc: {  	s0 =	sor.u32 s1, s0  }
0xbd: {  	s0 =	sadd.s32 $0x8F2B, s0  }
0xbe: {  	[sflag:s0] =	ssyncadd.remote.s32 $0x1  }
0xbf: {  	_ =	sfence.sel $0xFFFF  }
0xc0: {  	[dreg:$0x0] =	wrdreg $0xFFFFFFFF;
	(pc) =	sbr.abs _section_cstart, $3  }
0xc1: {  	[dreg:$0x1] =	wrdreg $0xFFFFFFFF  }
0xc2: {  	_ =	task.clear_ibuf [dreg:s7], $0x2FFFF;
	_ =	strace $0x9FFFFFFF  }
0xc3: {  	(tm) =	ssettm $0x7FFFFFFF  }
tec
execute0_lowered:
.L_overlay_start_1:
0x0: {  	(tag) =	ssettag $0x1  }
0x1: {  	s10 =	rddreg [dreg:$0x0]  }
0x2: {  	s1 =	srdreg.scid;
	s5 =	rddreg [dreg:$0x1]  }
0x3: {  	s0 =	stileid.u32;
	s2 =	rddreg [dreg:$0x2]  }
0x4: {  	s3 =	simm.s32 $0x0;
	s13 =	simm.s32 $0x80;
	s14 =	simm.s32 $0x100  }
0x5: {  	s15 =	simm.s32 $0x180;
	s16 =	simm.s32 $0x1;
	s17 =	simm.s32 $0x200  }
0x6: {  	s18 =	simm.s32 $0x2;
	s19 =	simm.s32 $0x3;
	s20 =	simm.s32 $0x4  }
0x7: {  	s21 =	simm.s32 $0x5;
	s22 =	simm.s32 $0x6;
	s26 =	smul.u32 $0x9E0, s0  }
0x8: {  	s23 =	simm.s32 $0x7;
	s4 =	sand.u32 $0x1, s1;
	s9 =	smul.u32 $0x2800, s0  }
0x9: {  	s24 =	sshrl.u32 s0, $0x3;
	s8 =	sshll.u32 s0, $0x7;
	s6 =	smul.u32 $0x2800, s4  }
0xa: {  	[smem:$0x7FF] =	sst s3;
	s7 =	smul.u32 $0x1400, s24;
	s25 =	sand.u32 $0x380, s8  }
0xb: {  	s28 =	smul.u32 $0x28000, s4;
	s4 =	ssub.s32 $0x2, s4;
	_ =	strace $0x80000047  }
0xc: {  	s24 =	simm.s32 $0x8;
	s29 =	sshrl.u32 s4, $0x1;
	s30 =	sshrl.u32 s26, $0x2  }
0xd: {  	s26 =	simm.s32 $0x0;
	s6 =	sadd.s32 s6, s7;
	s9 =	sadd.s32 s9, s28  }
0xe: {  	s6 =	sor.u32 s25, s6;
	s7 =	sor.u32 $0x180, s9;
	s31 =	sor.u32 $0x100, s9  }
0xf: {  	s11 =	sor.u32 $0x80, s9;
	s12 =	sshrl.u32 s9, $0x3;
	s25 =	simm.s32 $0x400  }
0x10: {  	s6 =	sshrl.u32 s6, $0x3;
	s7 =	sshrl.u32 s7, $0x3;
	s8 =	sshrl.u32 s31, $0x3  }
0x11: {  	s11 =	sshrl.u32 s11, $0x3;
	s5 =	sadd.s32 s6, s5;
	s6 =	ssub.s32 s4, s29  }
0x12: {  	s4 =	sadd.s32 s30, s2;
	s7 =	sadd.s32 s7, s10;
	s8 =	sadd.s32 s8, s10  }
0x13: {  	s9 =	sadd.s32 s11, s10;
	s10 =	sadd.s32 s12, s10;
	s11 =	simm.s32 $0x280  }
0x14: {  	v0 =	vimm.f32 $0.0e+00;
	v1 =	vimm.f32 $1.000000000e+00;
	s12 =	simm.s32 $0x9;
	s5 =	sadd.s32 $0xC600, s5;
	s6 =	smax.u32 s6, $0x1  }
.LBB2_1:
0x15: {  	[tilespmem:$0x280] =	vst v0  }
0x16: {  	[tilespmem:$0x290] =	vst v0  }
0x17: {  	[tilespmem:$0x2A0] =	vst v0  }
0x18: {  	[tilespmem:$0x2B0] =	vst v0  }
0x19: {  	[tilespmem:$0x2C0] =	vst v0  }
0x1a: {  	[tilespmem:$0x2D0] =	vst v0  }
0x1b: {  	[tilespmem:$0x2E0] =	vst v0  }
0x1c: {  	[tilespmem:$0x2F0] =	vst v0  }
0x1d: {  	[tilespmem:$0x300] =	vst v0  }
0x1e: {  	[tilespmem:$0x310] =	vst v0  }
0x1f: {  	[tilespmem:$0x320] =	vst v0  }
0x20: {  	[tilespmem:$0x330] =	vst v0  }
0x21: {  	[tilespmem:$0x340] =	vst v0  }
0x22: {  	[tilespmem:$0x350] =	vst v0  }
0x23: {  	[tilespmem:$0x360] =	vst v0  }
0x24: {  	[tilespmem:$0x370] =	vst v0  }
0x25: {  	[tilespmem:$0x380] =	vst v0  }
0x26: {  	[tilespmem:$0x390] =	vst v0  }
0x27: {  	[tilespmem:$0x3A0] =	vst v0  }
0x28: {  	[tilespmem:$0x3B0] =	vst v0  }
0x29: {  	[tilespmem:$0x3C0] =	vst v0  }
0x2a: {  	[tilespmem:$0x3D0] =	vst v0  }
0x2b: {  	[tilespmem:$0x3E0] =	vst v0  }
0x2c: {  	[tilespmem:$0x3F0] =	vst v0  }
0x2d: {  	[tilespmem:$0x400] =	vst v0  }
0x2e: {  	[tilespmem:$0x410] =	vst v0  }
0x2f: {  	[tilespmem:$0x420] =	vst v0  }
0x30: {  	[tilespmem:$0x430] =	vst v0  }
0x31: {  	[tilespmem:$0x440] =	vst v0  }
0x32: {  	[tilespmem:$0x450] =	vst v0  }
0x33: {  	[tilespmem:$0x460] =	vst v0  }
0x34: {  	[tilespmem:$0x470] =	vst v0  }
0x35: {  	[tilespmem:$0x480] =	vst v0  }
0x36: {  	[tilespmem:$0x490] =	vst v0  }
0x37: {  	[tilespmem:$0x4A0] =	vst v0  }
0x38: {  	[tilespmem:$0x4B0] =	vst v0  }
0x39: {  	[tilespmem:$0x4C0] =	vst v0  }
0x3a: {  	[tilespmem:$0x4D0] =	vst v0  }
0x3b: {  	[tilespmem:$0x4E0] =	vst v0  }
0x3c: {  	[tilespmem:$0x4F0] =	vst v0  }
0x3d: {  	[tilespmem:$0x200] =	vst v1  }
0x3e: {  	[tilespmem:$0x210] =	vst v1  }
0x3f: {  	[tilespmem:$0x220] =	vst v1  }
0x40: {  	[tilespmem:$0x230] =	vst v1  }
0x41: {  	[tilespmem:$0x240] =	vst v1  }
0x42: {  	[tilespmem:$0x250] =	vst v1  }
0x43: {  	[tilespmem:$0x260] =	vst v1  }
0x44: {  	[tilespmem:$0x270] =	vst v1  }
0x45: {  	[spmem:s4] =	stream.linear.scatter [tilespmem:s11], [sflag:$0x9], $0x278, $0x38;
	[tilespmem:$0x778] =	vst v63  }
0x46: {  	_ =	swait.ge [sflag:s12], $0x278  }
0x47: {  	[sflag:s12] =	ssyncset.done $0x0  }
0x48: {  	[sflag:s12] =	ssyncadd.s32 $0xFFFFFD88  }
0x49: {  	s28 =	sadd.s32 $0x0, s10;
	[bflag:$0x0] =	sbarrier.arrive $0xFFFF  }
0x4a: {  	[tilespmem:s3], [sflag:$0x1] =	stream.linear.gather [hbm4b:s28+s3], $0x80, $0x38;
	[tilespmem:$0x778] =	vst v63  }
0x4b: {  	s28 =	sadd.s32 $0x0, s9  }
0x4c: {  	[tilespmem:s13], [sflag:$0x2] =	stream.linear.gather [hbm4b:s28+s3], $0x80, $0x38;
	[tilespmem:$0x778] =	vst v63  }
0x4d: {  	s28 =	sadd.s32 $0x0, s8  }
0x4e: {  	[tilespmem:s14], [sflag:$0x3] =	stream.linear.gather [hbm4b:s28+s3], $0x80, $0x38;
	[tilespmem:$0x778] =	vst v63  }
0x4f: {  	s28 =	sadd.s32 $0x0, s7  }
0x50: {  	[tilespmem:s15], [sflag:$0x4] =	stream.linear.gather [hbm4b:s28+s3], $0x80, $0x38;
	[tilespmem:$0x778] =	vst v63  }
0x51: {  	_ =	swait.ge [sflag:s16], $0x80  }
0x52: {  	[sflag:s16] =	ssyncset.done $0x0  }
0x53: {  	[sflag:s16] =	ssyncadd.s32 $0xFFFFFF80  }
0x54: {  	[spmem:s2] =	stream.indirect.scatter.add.f32 [tilespmem:s17], [sflag:$0x5], $0x1, s3, s13, $0xb8;
	[tilespmem:$0x778] =	vst v63  }
0x55: {  	_ =	swait.ge [sflag:s18], $0x80  }
0x56: {  	[sflag:s18] =	ssyncset.done $0x0  }
0x57: {  	[sflag:s18] =	ssyncadd.s32 $0xFFFFFF80  }
0x58: {  	[spmem:s2] =	stream.indirect.scatter.add.f32 [tilespmem:s17], [sflag:$0x6], $0x1, s13, s13, $0xb8;
	[tilespmem:$0x778] =	vst v63  }
0x59: {  	_ =	swait.ge [sflag:s19], $0x80  }
0x5a: {  	[sflag:s19] =	ssyncset.done $0x0  }
0x5b: {  	[sflag:s19] =	ssyncadd.s32 $0xFFFFFF80  }
0x5c: {  	[spmem:s2] =	stream.indirect.scatter.add.f32 [tilespmem:s17], [sflag:$0x7], $0x1, s14, s13, $0xb8;
	[tilespmem:$0x778] =	vst v63  }
0x5d: {  	_ =	swait.ge [sflag:s20], $0x80  }
0x5e: {  	[sflag:s20] =	ssyncset.done $0x0  }
0x5f: {  	[sflag:s20] =	ssyncadd.s32 $0xFFFFFF80  }
0x60: {  	[spmem:s2] =	stream.indirect.scatter.add.f32 [tilespmem:s17], [sflag:$0x8], $0x1, s15, s13, $0xb8;
	[tilespmem:$0x778] =	vst v63  }
0x61: {  	_ =	swait.ge [sflag:s21], $0x80  }
0x62: {  	[sflag:s21] =	ssyncset.done $0x0  }
0x63: {  	[sflag:s21] =	ssyncadd.s32 $0xFFFFFF80  }
0x64: {  	_ =	swait.ge [sflag:s22], $0x80  }
0x65: {  	[sflag:s22] =	ssyncset.done $0x0  }
0x66: {  	[sflag:s22] =	ssyncadd.s32 $0xFFFFFF80  }
0x67: {  	_ =	swait.ge [sflag:s23], $0x80  }
0x68: {  	[sflag:s23] =	ssyncset.done $0x0  }
0x69: {  	[sflag:s23] =	ssyncadd.s32 $0xFFFFFF80  }
0x6a: {  	_ =	swait.ge [sflag:s24], $0x80  }
0x6b: {  	s30 =	simm.s32 $0x80;
	s28 =	simm.s32 $0x40;
	[sflag:s24] =	ssyncset.done $0x0  }
.LBB2_2:
0x6c: {  	s31 =	sadd.s32 s28, s10  }
0x6d: {  	[sflag:s24] =	ssyncadd.s32 $0xFFFFFF80;
	s1 =	smov.u32 s30;
	s29 =	sadd.s32 $0x40, s30  }
0x6e: {  	[tilespmem:s3], [sflag:$0x1] =	stream.linear.gather [hbm4b:s31+s3], $0x80, $0x38;
	[tilespmem:$0x778] =	vst v63  }
0x6f: {  	p0 =	sne.s32 s30, $0x4C0;
	s30 =	sadd.s32 s28, s9  }
0x70: {  	[tilespmem:s13], [sflag:$0x2] =	stream.linear.gather [hbm4b:s30+s3], $0x80, $0x38;
	[tilespmem:$0x778] =	vst v63  }
0x71: {  	s30 =	sadd.s32 s28, s8  }
0x72: {  	[tilespmem:s14], [sflag:$0x3] =	stream.linear.gather [hbm4b:s30+s3], $0x80, $0x38;
	[tilespmem:$0x778] =	vst v63  }
0x73: {  	s30 =	sadd.s32 s28, s7;
	s28 =	smov.u32 s1  }
0x74: {  	[tilespmem:s15], [sflag:$0x4] =	stream.linear.gather [hbm4b:s30+s3], $0x80, $0x38;
	[tilespmem:$0x778] =	vst v63  }
0x75: {  	_ =	swait.ge [sflag:s16], $0x80  }
0x76: {  	[sflag:s16] =	ssyncset.done $0x0  }
0x77: {  	[sflag:s16] =	ssyncadd.s32 $0xFFFFFF80  }
0x78: {  	[spmem:s2] =	stream.indirect.scatter.add.f32 [tilespmem:s17], [sflag:$0x5], $0x1, s3, s13, $0xb8;
	[tilespmem:$0x778] =	vst v63  }
0x79: {  	_ =	swait.ge [sflag:s18], $0x80  }
0x7a: {  	[sflag:s18] =	ssyncset.done $0x0  }
0x7b: {  	[sflag:s18] =	ssyncadd.s32 $0xFFFFFF80  }
0x7c: {  	[spmem:s2] =	stream.indirect.scatter.add.f32 [tilespmem:s17], [sflag:$0x6], $0x1, s13, s13, $0xb8;
	[tilespmem:$0x778] =	vst v63  }
0x7d: {  	_ =	swait.ge [sflag:s19], $0x80  }
0x7e: {  	[sflag:s19] =	ssyncset.done $0x0  }
0x7f: {  	[sflag:s19] =	ssyncadd.s32 $0xFFFFFF80  }
0x80: {  	[spmem:s2] =	stream.indirect.scatter.add.f32 [tilespmem:s17], [sflag:$0x7], $0x1, s14, s13, $0xb8;
	[tilespmem:$0x778] =	vst v63  }
0x81: {  	_ =	swait.ge [sflag:s20], $0x80  }
0x82: {  	[sflag:s20] =	ssyncset.done $0x0  }
0x83: {  	[sflag:s20] =	ssyncadd.s32 $0xFFFFFF80  }
0x84: {  	[spmem:s2] =	stream.indirect.scatter.add.f32 [tilespmem:s17], [sflag:$0x8], $0x1, s15, s13, $0xb8;
	[tilespmem:$0x778] =	vst v63  }
0x85: {  	_ =	swait.ge [sflag:s21], $0x80  }
0x86: {  	[sflag:s21] =	ssyncset.done $0x0  }
0x87: {  	[sflag:s21] =	ssyncadd.s32 $0xFFFFFF80  }
0x88: {  	_ =	swait.ge [sflag:s22], $0x80  }
0x89: {  	[sflag:s22] =	ssyncset.done $0x0  }
0x8a: {  	[sflag:s22] =	ssyncadd.s32 $0xFFFFFF80  }
.Ltmp0:
0x8b: {  	_ =	swait.ge [sflag:s23], $0x80;
	(pc) =	sbr.rel @p0 .LBB2_2-.Ltmp0, $4  }
0x8c: {  	[sflag:s23] =	ssyncset.done $0x0  }
0x8d: {  	[sflag:s23] =	ssyncadd.s32 $0xFFFFFF80  }
0x8e: {  	_ =	swait.ge [sflag:s24], $0x80  }
0x8f: {  	s30 =	smov.u32 s29;
	[sflag:s24] =	ssyncset.done $0x0  }
0x90: {  	s1 =	sadd.s32 s28, s10;
	[sflag:s24] =	ssyncadd.s32 $0xFFFFFF80  }
0x91: {  	[tilespmem:s3], [sflag:$0x1] =	stream.linear.gather [hbm4b:s1+s3], $0x80, $0x38;
	[tilespmem:$0x778] =	vst v63  }
0x92: {  	s29 =	sadd.s32 s28, s9  }
0x93: {  	[tilespmem:s13], [sflag:$0x2] =	stream.linear.gather [hbm4b:s29+s3], $0x80, $0x38;
	[tilespmem:$0x778] =	vst v63  }
0x94: {  	s30 =	sadd.s32 s28, s8  }
0x95: {  	[tilespmem:s14], [sflag:$0x3] =	stream.linear.gather [hbm4b:s30+s3], $0x80, $0x38;
	[tilespmem:$0x778] =	vst v63  }
0x96: {  	s31 =	sadd.s32 s28, s7  }
0x97: {  	[tilespmem:s15], [sflag:$0x4] =	stream.linear.gather [hbm4b:s31+s3], $0x80, $0x38;
	[tilespmem:$0x778] =	vst v63  }
0x98: {  	_ =	swait.ge [sflag:s16], $0x80  }
0x99: {  	[sflag:s16] =	ssyncset.done $0x0  }
0x9a: {  	[sflag:s16] =	ssyncadd.s32 $0xFFFFFF80  }
0x9b: {  	[spmem:s2] =	stream.indirect.scatter.add.f32 [tilespmem:s17], [sflag:$0x5], $0x1, s3, s13, $0xb8;
	[tilespmem:$0x778] =	vst v63  }
0x9c: {  	_ =	swait.ge [sflag:s18], $0x80  }
0x9d: {  	[sflag:s18] =	ssyncset.done $0x0  }
0x9e: {  	[sflag:s18] =	ssyncadd.s32 $0xFFFFFF80  }
0x9f: {  	[spmem:s2] =	stream.indirect.scatter.add.f32 [tilespmem:s17], [sflag:$0x6], $0x1, s13, s13, $0xb8;
	[tilespmem:$0x778] =	vst v63  }
0xa0: {  	_ =	swait.ge [sflag:s19], $0x80  }
0xa1: {  	[sflag:s19] =	ssyncset.done $0x0  }
0xa2: {  	[sflag:s19] =	ssyncadd.s32 $0xFFFFFF80  }
0xa3: {  	[spmem:s2] =	stream.indirect.scatter.add.f32 [tilespmem:s17], [sflag:$0x7], $0x1, s14, s13, $0xb8;
	[tilespmem:$0x778] =	vst v63  }
0xa4: {  	_ =	swait.ge [sflag:s20], $0x80  }
0xa5: {  	[sflag:s20] =	ssyncset.done $0x0  }
0xa6: {  	[sflag:s20] =	ssyncadd.s32 $0xFFFFFF80  }
0xa7: {  	[spmem:s2] =	stream.indirect.scatter.add.f32 [tilespmem:s17], [sflag:$0x8], $0x1, s15, s13, $0xb8;
	[tilespmem:$0x778] =	vst v63  }
0xa8: {  	_ =	swait.ge [sflag:s21], $0x80  }
0xa9: {  	[sflag:s21] =	ssyncset.done $0x0  }
0xaa: {  	[sflag:s21] =	ssyncadd.s32 $0xFFFFFF80  }
0xab: {  	_ =	swait.ge [sflag:s22], $0x80  }
0xac: {  	[sflag:s22] =	ssyncset.done $0x0  }
0xad: {  	[sflag:s22] =	ssyncadd.s32 $0xFFFFFF80  }
0xae: {  	_ =	swait.ge [sflag:s23], $0x80  }
0xaf: {  	[sflag:s23] =	ssyncset.done $0x0  }
0xb0: {  	[sflag:s23] =	ssyncadd.s32 $0xFFFFFF80  }
0xb1: {  	_ =	swait.ge [sflag:s24], $0x80  }
0xb2: {  	[sflag:s24] =	ssyncset.done $0x0  }
0xb3: {  	[sflag:s24] =	ssyncadd.s32 $0xFFFFFF80  }
0xb4: {  	[bflag:$0x0] =	sbarrier.arrive $0xFFFF  }
0xb5: {  	[tilespmem:s11], [sflag:$0x9] =	stream.linear.gather [spmem:s4], $0x278, $0x38;
	[tilespmem:$0x778] =	vst v63  }
0xb6: {  	s26 =	sadd.s32 $0x1, s26;
	_ =	swait.ge [sflag:s12], $0x278  }
0xb7: {  	p0 =	sne.s32 s26, s6;
	[sflag:s12] =	ssyncset.done $0x0  }
.Ltmp1:
0xb8: {  	[sflag:s12] =	ssyncadd.s32 $0xFFFFFD88;
	(pc) =	sbr.rel @p0 .LBB2_1-.Ltmp1, $4  }
0xb9: {  	[hbm4b:s5+s13] =	stream.strided.scatter [tilespmem:s11], [sflag:$0x9], $0x280, s25, s13, $0x38;
	[tilespmem:$0x778] =	vst v63  }
0xba: {  	_ =	swait.ge [sflag:s12], $0x280  }
0xbb: {  	[sflag:s12] =	ssyncset.done $0x0  }
0xbc: {  	[sflag:s12] =	ssyncadd.s32 $0xFFFFFD80  }
0xbd: {  	_ =	sfence.sel $0x180000  }
0xbe: {  	[bflag:$0x0] =	sbarrier.arrive $0xFFFF  }
0xbf: {  	_ =	strace $0x90000047  }
0xc0: {  	[bflag:$0x2] =	sbarrier.arrive $0xFFFF  }
0xc1: {  	p0 =	sne.s32 s0, $0x0;
	s0 =	rddreg [dreg:$0x3]  }
0xc2: {  	s0 =	sadd.s32 @!p0 $0x100000, s0  }
0xc3: {  	[sflag:s0] =	ssyncadd.tile.s32 @!p0 $0x1;
	_ =	shalt  }
.Lfunc_end2:
_tile_overlayer_lowered:
.L_overlay_start_2:
0xc4: {  	(tag) =	ssettag $0x2  }
0xc5: {  	s0 =	rddreg [dreg:$0x0];
	s2 =	stileid.u32  }
0xc6: {  	s1 =	rddreg [dreg:$0x1];
	p0 =	sne.s32 s2, $0x0  }
0xc7: {  	s3 =	rddreg [dreg:$0x2];
	[bflag:$0x3] =	sbarrier.arrive $0xFFFF;
	s2 =	simm.s32 @!p0 $0x1C09  }
0xc8: {  	[timem:s3], [sflag:s2] =	dma.local @!p0 [hbm:s0], s1  }
0xc9: {  	s0 =	simm.s32 @!p0 $0x9  }
0xca: {  	_ =	swait.ge @!p0 [sflag:s0], s1  }
0xcb: {  	s1 =	ssub.s32 @!p0 $0x0, s1;
	[sflag:s0] =	ssyncset.done @!p0 $0x0  }
0xcc: {  	[sflag:s0] =	ssyncadd.s32 @!p0 s1  }
0xcd: {  	[bflag:$0x3] =	sbarrier.arrive $0xFFFF  }
0xce: {  	_ =	shalt  }

// kernel: kernel.9.cloned.1.call-start
scs
__scs_entry_jumppad:
0x0: {  	(pc) =	sbr.rel $0x88, $3  }
0x1: {  	(tag) =	ssettag $0x0;
	lr =	simm.s32 $0x1  }
0x2: {  	[smem:$0x3F97] =	sst lr;
	_ =	strace $0xD0000000  }
0x3: {  	_ = 	snop  }
0x4: {  	_ = 	snop  }
0x5: {  	_ = 	snop  }
0x6: {  	_ = 	snop  }
0x7: {  	_ = 	snop  }
__scs_overlays_trampoline_lowered:
0x8: {  	[smem:$0x3FA6] =	sst s0  }
0x9: {  	[smem:$0x3FA7] =	sst s1  }
0xa: {  	[smem:$0x3FA8] =	sst s2  }
0xb: {  	[smem:$0x3FA9] =	sst s3  }
0xc: {  	[smem:$0x3FAA] =	sst s4  }
0xd: {  	[smem:$0x3FAB] =	sst s5  }
0xe: {  	[smem:$0x3FAC] =	sst s6  }
0xf: {  	[smem:$0x3FAD] =	sst s7  }
0x10: {  	[smem:$0x3FAE] =	sst s8  }
0x11: {  	[smem:$0x3FAF] =	sst s9;
	s0 =	simm.s32 @!p0 $0x0  }
0x12: {  	s1 =	sld [smem:$0x3F95];
	s0 =	simm.s32 @p0 $0x1  }
0x13: {  	[smem:$0x3FB0] =	sst s0;
	s0 =	simm.s32 @!p1 $0x0  }
0x14: {  	s2 =	sld [smem:$0x3F94];
	s0 =	simm.s32 @p1 $0x1  }
0x15: {  	[smem:$0x3FB1] =	sst s0;
	s0 =	simm.s32 @!p2 $0x0  }
0x16: {  	s3 =	sld [smem:$0x3FDB];
	s0 =	simm.s32 @p2 $0x1  }
0x17: {  	s4 =	simm.s32 $0x1BF5;
	[smem:$0x3FB3] =	sst s0  }
0x18: {  	s0 =	sld [smem:$0x3F96];
	_ =	swait.ge [sflag:s4], $0x0  }
0x19: {  	s7 =	sld [smem:$0x3F97]  }
0x1a: {  	s8 =	sadd.s32 $0xFFFFE003, lr  }
0x1b: {  	s9 =	sadd.s32 $0xFFFFFEF7, lr;
	s5 =	simm.s32 $0xFFFFFFFF;
	p2 =	slt.u32 s8, $0xFFFFF086  }
0x1c: {  	p1 =	slt.u32 s9, $0xF7A;
	s5 =	simm.s32 @!p2 $0x0  }
0x1d: {  	s5 =	simm.s32 @p1 $0x1;
	p0 =	seq.s32 s7, s2  }
0x1e: {  	s7 =	smul.u32 @!p0 $0xF7A, s2;
	p2 =	seq.s32 @!p0 s5, $0x0  }
0x1f: {  	s9 =	smul.u32 $0xF7A, s1;
	s8 =	simm.s32 @!p0 $0x1BF5;
	p2 =	por !p2, p0  }
0x20: {  	[sflag:s8] =	ssyncset.s32 @!p0 $0xFFFFF086;
	s6 =	sadd.s32 @!p0 s3, s7;
	s7 =	simm.s32 @!p0 $0x108  }
0x21: {  	s3 =	sadd.s32 s3, s9;
	s6 =	sadd.s32 @!p0 $0x88, s6;
	s7 =	simm.s32 @p2 $0x1082  }
0x22: {  	[simem:s7], [sflag:s8] =	dma.local @!p0 [hbm:s6], $0xF7A  }
0x23: {  	s9 =	sor.u32 $0xD0000000, s2;
	s6 =	simm.s32 $0x108;
	_ =	swait.ge @!p0 [sflag:s8], $0x0  }
0x24: {  	s3 =	sadd.s32 $0x88, s3;
	s6 =	simm.s32 @!p1 $0x1082;
	[sflag:s4] =	ssyncset.s32 $0xFFFFF086  }
0x25: {  	[simem:s6], [sflag:s4] =	dma.local [hbm:s3], $0xF7A  }
0x26: {  	[smem:$0x3F97] =	sst s1;
	(tag) =	ssettag s2;
	_ =	strace s9  }
0x27: {  	s1 =	sld [smem:$0x3FA7]  }
0x28: {  	s2 =	sld [smem:$0x3FA8]  }
0x29: {  	s4 =	sld [smem:$0x3FAA]  }
0x2a: {  	p0 =	seq.s32 s5, $0x0;
	s5 =	sld [smem:$0x3FAB]  }
0x2b: {  	s6 =	sld [smem:$0x3FAC]  }
0x2c: {  	s7 =	sld [smem:$0x3FAD]  }
0x2d: {  	s3 =	simm.s32 $0x108;
	s8 =	sld [smem:$0x3FAE]  }
0x2e: {  	s3 =	simm.s32 @!p0 $0x1082;
	s9 =	sld [smem:$0x3FAF]  }
0x2f: {  	lr =	sadd.s32 s0, s3;
	s0 =	sld [smem:$0x3FA6]  }
0x30: {  	s3 =	sld [smem:$0x3FA9]  }
0x31: {  	[smem:$0x3FB2] =	sst s10  }
0x32: {  	s10 =	sld [smem:$0x3FB0];
	_ =	sdelay $0x3  }
0x33: {  	p0 =	seq.s32 s10, $0x1;
	s10 =	sld [smem:$0x3FB2];
	_ =	sdelay $0x3  }
0x34: {  	[smem:$0x3FB2] =	sst s10  }
0x35: {  	s10 =	sld [smem:$0x3FB1];
	_ =	sdelay $0x3  }
0x36: {  	p1 =	seq.s32 s10, $0x1;
	s10 =	sld [smem:$0x3FB2];
	_ =	sdelay $0x3  }
0x37: {  	[smem:$0x3FB2] =	sst s10  }
0x38: {  	s10 =	sld [smem:$0x3FB3]  }
0x39: {  	_ = 	snop;
	(pc) =	sbr.ind lr, $3  }
0x3a: {  	_ = 	snop  }
0x3b: {  	_ = 	snop  }
0x3c: {  	p2 =	seq.s32 s10, $0x1;
	s10 =	sld [smem:$0x3FB2]  }
0x3d: {  	_ =	shalt  }
0x3e: {  	_ =	shalt  }
0x3f: {  	_ =	shalt  }
0x40: {  	_ =	shalt  }
0x41: {  	_ =	shalt  }
0x42: {  	_ =	shalt  }
0x43: {  	_ =	shalt  }
0x44: {  	_ =	shalt  }
0x45: {  	_ =	shalt  }
0x46: {  	_ =	shalt  }
0x47: {  	_ =	shalt  }
0x48: {  	_ =	shalt  }
0x49: {  	_ =	shalt  }
0x4a: {  	_ =	shalt  }
0x4b: {  	_ =	shalt  }
0x4c: {  	_ =	shalt  }
0x4d: {  	_ =	shalt  }
0x4e: {  	_ =	shalt  }
0x4f: {  	_ =	shalt  }
0x50: {  	_ =	shalt  }
0x51: {  	_ =	shalt  }
0x52: {  	_ =	shalt  }
0x53: {  	_ =	shalt  }
0x54: {  	_ =	shalt  }
0x55: {  	_ =	shalt  }
0x56: {  	_ =	shalt  }
0x57: {  	_ =	shalt  }
0x58: {  	_ =	shalt  }
0x59: {  	_ =	shalt  }
0x5a: {  	_ =	shalt  }
0x5b: {  	_ =	shalt  }
0x5c: {  	_ =	shalt  }
0x5d: {  	_ =	shalt  }
0x5e: {  	_ =	shalt  }
0x5f: {  	_ =	shalt  }
0x60: {  	_ =	shalt  }
0x61: {  	_ =	shalt  }
0x62: {  	_ =	shalt  }
0x63: {  	_ =	shalt  }
0x64: {  	_ =	shalt  }
0x65: {  	_ =	shalt  }
0x66: {  	_ =	shalt  }
0x67: {  	_ =	shalt  }
0x68: {  	_ =	shalt  }
0x69: {  	_ =	shalt  }
0x6a: {  	_ =	shalt  }
0x6b: {  	_ =	shalt  }
0x6c: {  	_ =	shalt  }
0x6d: {  	_ =	shalt  }
0x6e: {  	_ =	shalt  }
0x6f: {  	_ =	shalt  }
0x70: {  	_ =	shalt  }
0x71: {  	_ =	shalt  }
0x72: {  	_ =	shalt  }
0x73: {  	_ =	shalt  }
0x74: {  	_ =	shalt  }
0x75: {  	_ =	shalt  }
0x76: {  	_ =	shalt  }
0x77: {  	_ =	shalt  }
0x78: {  	_ =	shalt  }
0x79: {  	_ =	shalt  }
0x7a: {  	_ =	shalt  }
0x7b: {  	_ =	shalt  }
0x7c: {  	_ =	shalt  }
0x7d: {  	_ =	shalt  }
0x7e: {  	_ =	shalt  }
0x7f: {  	_ =	shalt  }
0x80: {  	_ =	shalt  }
0x81: {  	_ =	shalt  }
0x82: {  	_ =	shalt  }
0x83: {  	_ =	shalt  }
0x84: {  	_ =	shalt  }
0x85: {  	_ =	shalt  }
0x86: {  	_ =	shalt  }
0x87: {  	_ =	shalt  }
.Lfunc_end0:
.L_simem_size_0:
called_computation.1_lowered:
.L_overlay_start_0:
0x88: {  	s2 =	sld [smem:$0x3FD9]  }
0x89: {  	s3 =	sld [smem:$0x3FFE];
	_ =	sdelay $0x1  }
0x8a: {  	s1 =	srdreg.scid  }
0x8b: {  	s0 =	sand.u32 $0x1, s1  }
0x8c: {  	s16 =	sshll.u32 s0, $0xA;
	s2 =	sadd.s32 s3, s2  }
0x8d: {  	s2 =	sadd.s32 s2, s16  }
0x8e: {  	[smem:$0x3FBE] =	sst s2  }
0x8f: {  	_ = 	snop  }
0x90: {  	(tm) =	ssettm $0x1  }
0x91: {  	s17 =	sld [smem:$0x3FFB];
	_ =	sdelay $0x3  }
0x92: {  	_ =	strace s17  }
0x93: {  	s2 =	sld [smem:$0x3FFC];
	_ =	sdelay $0x3  }
0x94: {  	_ =	strace s2  }
0x95: {  	s2 =	sld [smem:$0x3FFD];
	_ =	sdelay $0x3  }
0x96: {  	_ =	strace s2  }
0x97: {  	_ =	strace $0x8FFFFFFF  }
0x98: {  	s18 =	sld [smem:$0x3FDB];
	_ =	sdelay $0x1  }
0x99: {  	s19 =	simm.s32 $_scs_section_size  }
0x9a: {  	s4 =	simm.s32 $_size__tile_overlayer_lowered;
	s5 =	simm.s32 $_tile_overlayer_lowered  }
0x9b: {  	s22 =	simm.s32 $0x1BFF;
	s21 =	sshll.u32 s5, $0x1;
	s2 =	sadd.s32 s19, s18  }
0x9c: {  	s6 =	simm.s32 $0x0;
	s20 =	sshll.u32 s4, $0x1;
	s4 =	sadd.s32 s21, s2  }
0x9d: {  	[timem:s6], [sflag:s22] =	dma.local [hbm:s4], s20  }
0x9e: {  	_ =	swait.ge [sflag:s22], s20  }
0x9f: {  	s3 =	ssub.s32 $0x0, s20;
	[sflag:s22] =	ssyncset.done $0x0  }
0xa0: {  	[sflag:s22] =	ssyncadd.s32 s3;
	_ =	sdelay $0x1  }
0xa1: {  	s23 =	simm.s32 $0x1B8B  }
0xa2: {  	_ =	swait.ge [sflag:s23], $0x1  }
0xa3: {  	[sflag:s23] =	ssyncset.done $0x0  }
0xa4: {  	s25 =	simm.s32 $0x1B8E;
	s24 =	sld [smem:$0x3FFE];
	[sflag:s23] =	ssyncadd.s32 $0xFFFFFFFF  }
0xa5: {  	s26 =	simm.s32 $execute0_lowered;
	[smem:$0x3FD2] =	sst s25  }
0xa6: {  	s4 =	sshll.u32 s26, $0x1;
	_ =	strace $0x80000049;
	[dreg:$0x1] =	wrdreg $0xFFFFFFFF  }
0xa7: {  	s28 =	simm.s32 $_size_execute0_lowered;
	s2 =	sadd.s32 s2, s4;
	[dreg:$0x0] =	wrdreg $0x0  }
0xa8: {  	s4 =	sshll.u32 s28, $0x1;
	[dreg:$0x2] =	wrdreg s2  }
0xa9: {  	[dreg:$0x3] =	wrdreg s4  }
0xaa: {  	[dreg:$0x4] =	wrdreg $0xC0  }
0xab: {  	_ =	task [dreg:s6], $0x5FFFF  }
0xac: {  	[dreg:$0x1] =	wrdreg $0xFFFFFFFF  }
0xad: {  	[dreg:$0x0] =	wrdreg $0x60  }
0xae: {  	[dreg:$0x2] =	wrdreg s24  }
0xaf: {  	[dreg:$0x3] =	wrdreg $0xC3000  }
0xb0: {  	[dreg:$0x4] =	wrdreg $0x9  }
0xb1: {  	_ =	task.clear_ibuf [dreg:s6], $0x5FFFF;
	_ =	strace $0x90000049  }
0xb2: {  	s29 =	simm.s32 $0x9;
	_ =	strace $0x8000004B  }
0xb3: {  	_ =	swait.ge [sflag:s29], $0x1  }
0xb4: {  	[sflag:s29] =	ssyncadd.s32 $0xFFFFFFFF  }
0xb5: {  	_ =	strace $0x9000004B  }
0xb6: {  	_ =	sfence  }
0xb7: {  	s30 =	sld [smem:$0x0];
	_ =	sdelay $0x2  }
0xb8: {  	s31 =	sshll.u32 s1, $0xD;
	s1 =	sshrl.u32 s1, $0x2  }
0xb9: {  	s3 =	sand.u32 $0x4000, s31;
	s1 =	sadd.s32 s1, s30  }
0xba: {  	s0 =	sor.u32 s3, s0;
	s1 =	sshll.u32 s1, $0x11  }
0xbb: {  	s0 =	sor.u32 s1, s0  }
0xbc: {  	s0 =	sadd.s32 $0x8F2B, s0  }
0xbd: {  	[sflag:s0] =	ssyncadd.remote.s32 $0x1  }
0xbe: {  	_ =	sfence.sel $0xFFFF  }
0xbf: {  	[dreg:$0x0] =	wrdreg $0xFFFFFFFF;
	(pc) =	sbr.abs _section_cstart, $3  }
0xc0: {  	[dreg:$0x1] =	wrdreg $0xFFFFFFFF  }
0xc1: {  	_ =	task.clear_ibuf [dreg:s6], $0x2FFFF;
	_ =	strace $0x9FFFFFFF  }
0xc2: {  	(tm) =	ssettm $0x7FFFFFFF  }
0xc3: {  	_ =	shalt  }
tec
execute0_lowered:
.L_overlay_start_1:
0x0: {  	(tag) =	ssettag $0x1  }
0x1: {  	s0 =	rddreg [dreg:$0x0]  }
0x2: {  	s1 =	rddreg [dreg:$0x1];
	s3 =	simm.s32 $0x0;
	s2 =	srdreg.scid  }
0x3: {  	s19 =	stileid.u32;
	s20 =	simm.s32 $0x7;
	s21 =	simm.s32 $0x80  }
0x4: {  	s28 =	simm.s32 $0x4300;
	s29 =	simm.s32 $0x3;
	s30 =	simm.s32 $0x200  }
0x5: {  	s31 =	simm.s32 $0x4;
	[smem:$0x7FF] =	sst s3;
	s7 =	smul.u32 $0x4F000, s19  }
0x6: {  	s2 =	sand.u32 $0x1, s2;
	s11 =	sadd.s32 $0x2600, s0;
	s10 =	smul.u32 $0x13C00, s19  }
0x7: {  	s4 =	sadd.s32 $0xC600, s0;
	s5 =	sadd.s32 $0x33800, s0;
	s24 =	smul.u32 $0x2800, s19  }
0x8: {  	s0 =	sadd.s32 $0x5AA00, s0;
	s19 =	simm.s32 $0x8300;
	s14 =	smul.u32 $0x13C000, s2  }
0x9: {  	_ =	strace $0x8000004A;
	s6 =	ssub.s32 $0x2, s2;
	s2 =	smul.u32 $0x28000, s2  }
0xa: {  	s8 =	sshrl.u32 s6, $0x1;
	s22 =	sshrl.u32 s7, $0x2;
	s13 =	sadd.s32 $0x4000, s10  }
0xb: {  	s15 =	sadd.s32 $0x8000, s10;
	s16 =	sadd.s32 $0xC000, s10;
	s18 =	sadd.s32 $0x10000, s10  }
0xc: {  	s12 =	ssub.s32 s6, s8;
	s6 =	sadd.s32 s22, s1;
	s7 =	sadd.s32 s13, s1  }
0xd: {  	s8 =	sadd.s32 s15, s1;
	s17 =	sadd.s32 s10, s14;
	s9 =	sadd.s32 s16, s1  }
0xe: {  	s10 =	sadd.s32 s18, s1;
	s13 =	sadd.s32 s14, s13;
	s15 =	sadd.s32 s14, s15  }
0xf: {  	s25 =	sadd.s32 s14, s16;
	s14 =	sadd.s32 s14, s18;
	s2 =	sadd.s32 s24, s2  }
0x10: {  	s22 =	simm.s32 $0x1;
	s24 =	simm.s32 $0x300;
	s17 =	sshrl.u32 s17, $0x3  }
0x11: {  	s13 =	sshrl.u32 s13, $0x3;
	s23 =	sshrl.u32 s15, $0x3;
	s14 =	sshrl.u32 s14, $0x3  }
0x12: {  	s26 =	sor.u32 $0x80, s2;
	s16 =	smax.u32 s12, $0x1;
	s2 =	sshrl.u32 s2, $0x3  }
0x13: {  	s12 =	simm.s32 $0x0;
	s17 =	sadd.s32 s0, s17;
	s13 =	sadd.s32 s0, s13  }
0x14: {  	s18 =	sadd.s32 s2, s11;
	[dreg:$0x4] =	wrdreg s13;
	s13 =	sadd.s32 s0, s23  }
0x15: {  	s2 =	simm.s32 $0x5;
	[dreg:$0x5] =	wrdreg s13;
	s13 =	sshrl.u32 s25, $0x3  }
0x16: {  	[dreg:$0x3] =	wrdreg s17;
	s23 =	simm.s32 $0x100;
	s13 =	sadd.s32 s0, s13  }
0x17: {  	s25 =	simm.s32 $0x2;
	s0 =	sadd.s32 s0, s14;
	[dreg:$0x6] =	wrdreg s13  }
0x18: {  	[dreg:$0x7] =	wrdreg s0;
	s0 =	sshrl.u32 s26, $0x3;
	s26 =	simm.s32 $0x180  }
0x19: {  	v0 =	vimm.f32 $0.0e+00;
	s17 =	sadd.s32 s0, s11;
	s0 =	simm.s32 $0x280;
	s11 =	simm.s32 $0x6  }
.LBB2_1:
0x1a: {  	s13 =	simm.s32 $0x0;
	s14 =	simm.s32 $0x200  }
.LBB2_2:
0x1b: {  	p0 =	sne.s32 s14, $0xFE00;
	[tilespmem:s13+$0x8370] =	vst v0  }
0x1c: {  	[tilespmem:s13+$0x8300] =	vst v0  }
0x1d: {  	[tilespmem:s13+$0x8310] =	vst v0  }
.Ltmp0:
0x1e: {  	[tilespmem:s13+$0x8320] =	vst v0;
	(pc) =	sbr.rel @p0 .LBB2_2-.Ltmp0, $4  }
0x1f: {  	[tilespmem:s13+$0x8330] =	vst v0  }
0x20: {  	[tilespmem:s13+$0x8340] =	vst v0  }
0x21: {  	[tilespmem:s13+$0x8350] =	vst v0  }
0x22: {  	[tilespmem:s13+$0x8360] =	vst v0;
	s13 =	sshra.s32 s14, $0x2;
	s14 =	sadd.s32 $0x200, s14  }
0x23: {  	[tilespmem:s13+$0x8370] =	vst v0  }
0x24: {  	[tilespmem:s13+$0x8300] =	vst v0  }
0x25: {  	[tilespmem:s13+$0x8310] =	vst v0  }
0x26: {  	[tilespmem:s13+$0x8320] =	vst v0  }
0x27: {  	[tilespmem:s13+$0x8330] =	vst v0  }
0x28: {  	[tilespmem:s13+$0x8340] =	vst v0  }
0x29: {  	[tilespmem:s13+$0x8350] =	vst v0  }
0x2a: {  	[tilespmem:s13+$0x8360] =	vst v0  }
0x2b: {  	[spmem:s6] =	stream.linear.scatter [tilespmem:s19], [sflag:$0x7], $0x4000, $0x38;
	[tilespmem:$0x1FF00] =	vst v63  }
0x2c: {  	_ =	swait.ge [sflag:s20], $0x4000  }
0x2d: {  	[sflag:s20] =	ssyncset.done $0x0  }
0x2e: {  	[sflag:s20] =	ssyncadd.s32 $0xFFFFC000  }
0x2f: {  	[spmem:s7] =	stream.linear.scatter [tilespmem:s19], [sflag:$0x7], $0x4000, $0x38;
	[tilespmem:$0x1FF00] =	vst v63  }
0x30: {  	_ =	swait.ge [sflag:s20], $0x4000  }
0x31: {  	[sflag:s20] =	ssyncset.done $0x0  }
0x32: {  	[sflag:s20] =	ssyncadd.s32 $0xFFFFC000  }
0x33: {  	[spmem:s8] =	stream.linear.scatter [tilespmem:s19], [sflag:$0x7], $0x4000, $0x38;
	[tilespmem:$0x1FF00] =	vst v63  }
0x34: {  	_ =	swait.ge [sflag:s20], $0x4000  }
0x35: {  	[sflag:s20] =	ssyncset.done $0x0  }
0x36: {  	[sflag:s20] =	ssyncadd.s32 $0xFFFFC000  }
0x37: {  	[spmem:s9] =	stream.linear.scatter [tilespmem:s19], [sflag:$0x7], $0x4000, $0x38;
	[tilespmem:$0x1FF00] =	vst v63  }
0x38: {  	_ =	swait.ge [sflag:s20], $0x4000  }
0x39: {  	[sflag:s20] =	ssyncset.done $0x0  }
0x3a: {  	[sflag:s20] =	ssyncadd.s32 $0xFFFFC000  }
0x3b: {  	[spmem:s10] =	stream.linear.scatter [tilespmem:s19], [sflag:$0x7], $0x3C00, $0x38;
	[tilespmem:$0x1FF00] =	vst v63  }
0x3c: {  	_ =	swait.ge [sflag:s20], $0x3C00  }
0x3d: {  	[sflag:s20] =	ssyncset.done $0x0  }
0x3e: {  	[sflag:s20] =	ssyncadd.s32 $0xFFFFC400  }
0x3f: {  	s14 =	sadd.s32 $0x0, s18;
	[bflag:$0x0] =	sbarrier.arrive $0xFFFF  }
0x40: {  	[tilespmem:s3], [sflag:$0x1] =	stream.linear.gather [hbm4b:s14+s3], $0x80, $0x38;
	[tilespmem:$0x1FF00] =	vst v63  }
0x41: {  	s15 =	sadd.s32 $0x0, s17  }
0x42: {  	[tilespmem:s21], [sflag:$0x2] =	stream.linear.gather [hbm4b:s15+s3], $0x80, $0x38;
	[tilespmem:$0x1FF00] =	vst v63  }
0x43: {  	_ =	swait.ge [sflag:s22], $0x80  }
0x44: {  	[sflag:s22] =	ssyncset.done $0x0  }
0x45: {  	[sflag:s22] =	ssyncadd.s32 $0xFFFFFF80  }
0x46: {  	v1 =	vld [tilespmem:$0x70];
	_ =	sdelay $0x1  }
0x47: {  	v2 =	vld [tilespmem:$0x60]  }
0x48: {  	v3 =	vld [tilespmem:$0x10];
	_ =	sdelay $0x1  }
0x49: {  	v4 =	vand.u32 $0x3FFF, v1  }
0x4a: {  	v5 =	vld [tilespmem:$0x30];
	v1 =	vshrl.u32 v1, $0xE;
	[tilespmem:$0x170] =	vst v4  }
0x4b: {  	v6 =	vand.u32 $0x3FFF, v2;
	[tilespmem:$0x270] =	vst v1  }
0x4c: {  	v4 =	vld [tilespmem:$0x40];
	v1 =	vand.u32 $0x3FFF, v3;
	[tilespmem:$0x160] =	vst v6  }
0x4d: {  	v6 =	vld [tilespmem:$0x20];
	v3 =	vshrl.u32 v3, $0xE;
	[tilespmem:$0x110] =	vst v1  }
0x4e: {  	v1 =	vshrl.u32 v2, $0xE;
	[tilespmem:$0x210] =	vst v3  }
0x4f: {  	v2 =	vand.u32 $0x3FFF, v5;
	[tilespmem:$0x260] =	vst v1  }
0x50: {  	v1 =	vld [tilespmem:$0x50];
	[tilespmem:$0x130] =	vst v2;
	v2 =	vshrl.u32 v5, $0xE  }
0x51: {  	[tilespmem:$0x230] =	vst v2;
	v3 =	vshrl.u32 v4, $0xE  }
0x52: {  	v5 =	vand.u32 $0x3FFF, v6;
	[tilespmem:$0x240] =	vst v3;
	v3 =	vld [tilespmem:$0x0]  }
0x53: {  	v2 =	vshrl.u32 v6, $0xE;
	[tilespmem:$0x120] =	vst v5  }
0x54: {  	v4 =	vand.u32 $0x3FFF, v4;
	[tilespmem:$0x220] =	vst v2  }
0x55: {  	[tilespmem:$0x140] =	vst v4;
	v2 =	vshrl.u32 v1, $0xE  }
0x56: {  	v1 =	vand.u32 $0x3FFF, v1;
	[tilespmem:$0x250] =	vst v2  }
0x57: {  	[tilespmem:$0x150] =	vst v1;
	v2 =	vand.u32 $0x3FFF, v3  }
0x58: {  	v1 =	vshrl.u32 v3, $0xE;
	[tilespmem:$0x100] =	vst v2  }
0x59: {  	[tilespmem:$0x200] =	vst v1  }
0x5a: {  	[tilespmem:s24], [sflag:$0x3] =	stream.indirect.gather [hbm4b:s4+s21], $0x80, s23, s21, $0xb8;
	[tilespmem:$0x1FF00] =	vst v63  }
0x5b: {  	_ =	swait.ge [sflag:s25], $0x80  }
0x5c: {  	[sflag:s25] =	ssyncset.done $0x0  }
0x5d: {  	[sflag:s25] =	ssyncadd.s32 $0xFFFFFF80  }
0x5e: {  	v2 =	vld [tilespmem:$0xF0]  }
0x5f: {  	v6 =	vld [tilespmem:$0x90]  }
0x60: {  	v5 =	vld [tilespmem:$0x80]  }
0x61: {  	v3 =	vld [tilespmem:$0xA0]  }
0x62: {  	v1 =	vld [tilespmem:$0xB0]  }
0x63: {  	s13 =	simm.s32 $0x20;
	v4 =	vld [tilespmem:$0xC0]  }
.LBB2_4:
0x64: {  	p0 =	sne.s32 s13, $0x4E0;
	v7 =	vand.u32 $0x3FFF, v6;
	v6 =	vshrl.u32 v6, $0xE;
	v8 =	vld [tilespmem:$0xD0];
	v9 =	vand.u32 $0x3FFF, v2;
	s14 =	smov.u32 s13;
	s13 =	sadd.s32 $0x20, s13  }
0x65: {  	v2 =	vshrl.u32 v2, $0xE;
	v10 =	vshrl.u32 v5, $0xE;
	[tilespmem:$0x190] =	vst v7;
	v7 =	vld [tilespmem:$0xE0]  }
0x66: {  	[tilespmem:$0x280] =	vst v10  }
0x67: {  	v5 =	vand.u32 $0x3FFF, v5;
	[tilespmem:$0x290] =	vst v6;
	v6 =	vshrl.u32 v1, $0xE  }
0x68: {  	[tilespmem:$0x180] =	vst v5;
	v5 =	vand.u32 $0x3FFF, v4;
	v4 =	vshrl.u32 v4, $0xE  }
0x69: {  	v10 =	vand.u32 $0x3FFF, v3;
	[tilespmem:$0x2B0] =	vst v6;
	v6 =	vand.u32 $0x3FFF, v8;
	v8 =	vshrl.u32 v8, $0xE  }
0x6a: {  	v3 =	vshrl.u32 v3, $0xE;
	[tilespmem:$0x1A0] =	vst v10;
	v10 =	vand.u32 $0x3FFF, v7;
	v7 =	vshrl.u32 v7, $0xE  }
0x6b: {  	v1 =	vand.u32 $0x3FFF, v1;
	[tilespmem:$0x2A0] =	vst v3  }
0x6c: {  	[tilespmem:$0x1D0] =	vst v6  }
0x6d: {  	[tilespmem:$0x2F0] =	vst v2  }
0x6e: {  	[tilespmem:$0x1B0] =	vst v1  }
0x6f: {  	[tilespmem:$0x2C0] =	vst v4  }
0x70: {  	[tilespmem:$0x1C0] =	vst v5  }
0x71: {  	[tilespmem:$0x1F0] =	vst v9  }
0x72: {  	[tilespmem:$0x2E0] =	vst v7  }
0x73: {  	[tilespmem:$0x2D0] =	vst v8  }
0x74: {  	[tilespmem:$0x1E0] =	vst v10  }
0x75: {  	[tilespmem:s28], [sflag:$0x4] =	stream.indirect.gather [hbm4b:s5+s21], $0x80, s26, s21, $0xb8;
	[tilespmem:$0x1FF00] =	vst v63  }
0x76: {  	_ =	swait.ge [sflag:s29], $0x4000  }
0x77: {  	[sflag:s29] =	ssyncset.done $0x0  }
0x78: {  	[sflag:s29] =	ssyncadd.s32 $0xFFFFC000  }
0x79: {  	[spmem:s1] =	stream.indirect.scatter.add.f32 [tilespmem:s24], [sflag:$0x5], $0x80, s30, s21, $0xb8;
	[tilespmem:$0x1FF00] =	vst v63  }
0x7a: {  	_ =	swait.ge [sflag:s31], $0x4000  }
0x7b: {  	[sflag:s31] =	ssyncset.done $0x0  }
0x7c: {  	[sflag:s31] =	ssyncadd.s32 $0xFFFFC000  }
0x7d: {  	[spmem:s1] =	stream.indirect.scatter.add.f32 [tilespmem:s28], [sflag:$0x6], $0x80, s0, s21, $0xb8;
	[tilespmem:$0x1FF00] =	vst v63  }
0x7e: {  	_ =	swait.ge [sflag:s2], $0x4000  }
0x7f: {  	[sflag:s2] =	ssyncset.done $0x0  }
0x80: {  	[sflag:s2] =	ssyncadd.s32 $0xFFFFC000  }
0x81: {  	_ =	swait.ge [sflag:s11], $0x4000  }
0x82: {  	[sflag:s11] =	ssyncset.done $0x0  }
0x83: {  	s15 =	sadd.s32 s14, s18;
	[sflag:s11] =	ssyncadd.s32 $0xFFFFC000  }
0x84: {  	[tilespmem:s3], [sflag:$0x1] =	stream.linear.gather [hbm4b:s15+s3], $0x80, $0x38;
	[tilespmem:$0x1FF00] =	vst v63  }
0x85: {  	s14 =	sadd.s32 s14, s17  }
0x86: {  	[tilespmem:s21], [sflag:$0x2] =	stream.linear.gather [hbm4b:s14+s3], $0x80, $0x38;
	[tilespmem:$0x1FF00] =	vst v63  }
0x87: {  	_ =	swait.ge [sflag:s22], $0x80  }
0x88: {  	[sflag:s22] =	ssyncset.done $0x0  }
0x89: {  	[sflag:s22] =	ssyncadd.s32 $0xFFFFFF80  }
0x8a: {  	v1 =	vld [tilespmem:$0x70]  }
0x8b: {  	v2 =	vld [tilespmem:$0x60]  }
0x8c: {  	v3 =	vld [tilespmem:$0x20]  }
0x8d: {  	v4 =	vld [tilespmem:$0x10]  }
0x8e: {  	v5 =	vld [tilespmem:$0x30]  }
0x8f: {  	v6 =	vld [tilespmem:$0x0];
	v7 =	vand.u32 $0x3FFF, v1;
	v1 =	vshrl.u32 v1, $0xE  }
0x90: {  	v8 =	vld [tilespmem:$0x40];
	v9 =	vand.u32 $0x3FFF, v2;
	v2 =	vshrl.u32 v2, $0xE;
	[tilespmem:$0x170] =	vst v7  }
0x91: {  	v7 =	vld [tilespmem:$0x50];
	[tilespmem:$0x270] =	vst v1  }
0x92: {  	v1 =	vand.u32 $0x3FFF, v4;
	v4 =	vshrl.u32 v4, $0xE;
	[tilespmem:$0x160] =	vst v9  }
0x93: {  	[tilespmem:$0x110] =	vst v1;
	v1 =	vand.u32 $0x3FFF, v3;
	v3 =	vshrl.u32 v3, $0xE;
	v9 =	vand.u32 $0x3FFF, v5  }
0x94: {  	v10 =	vand.u32 $0x3FFF, v6;
	v6 =	vshrl.u32 v6, $0xE;
	[tilespmem:$0x210] =	vst v4;
	v4 =	vshrl.u32 v5, $0xE  }
0x95: {  	v5 =	vand.u32 $0x3FFF, v8;
	v8 =	vshrl.u32 v8, $0xE;
	[tilespmem:$0x260] =	vst v2  }
0x96: {  	[tilespmem:$0x130] =	vst v9;
	v2 =	vand.u32 $0x3FFF, v7;
	v7 =	vshrl.u32 v7, $0xE  }
0x97: {  	[tilespmem:$0x240] =	vst v8  }
0x98: {  	[tilespmem:$0x230] =	vst v4  }
0x99: {  	[tilespmem:$0x120] =	vst v1  }
0x9a: {  	[tilespmem:$0x220] =	vst v3  }
0x9b: {  	[tilespmem:$0x140] =	vst v5  }
0x9c: {  	[tilespmem:$0x250] =	vst v7  }
0x9d: {  	[tilespmem:$0x150] =	vst v2  }
0x9e: {  	[tilespmem:$0x100] =	vst v10  }
0x9f: {  	[tilespmem:$0x200] =	vst v6  }
0xa0: {  	[tilespmem:s24], [sflag:$0x3] =	stream.indirect.gather [hbm4b:s4+s21], $0x80, s23, s21, $0xb8;
	[tilespmem:$0x1FF00] =	vst v63  }
0xa1: {  	_ =	swait.ge [sflag:s25], $0x80  }
0xa2: {  	[sflag:s25] =	ssyncset.done $0x0  }
0xa3: {  	[sflag:s25] =	ssyncadd.s32 $0xFFFFFF80  }
0xa4: {  	v2 =	vld [tilespmem:$0xF0]  }
.Ltmp1:
0xa5: {  	v6 =	vld [tilespmem:$0x90];
	(pc) =	sbr.rel @p0 .LBB2_4-.Ltmp1, $4  }
0xa6: {  	v5 =	vld [tilespmem:$0x80]  }
0xa7: {  	v3 =	vld [tilespmem:$0xA0]  }
0xa8: {  	v1 =	vld [tilespmem:$0xB0]  }
0xa9: {  	v4 =	vld [tilespmem:$0xC0]  }
0xaa: {  	v7 =	vand.u32 $0x3FFF, v6  }
0xab: {  	v56 =	vshrl.u32 v6, $0xE;
	[tilespmem:$0x190] =	vst v7  }
0xac: {  	v62 =	vshrl.u32 v2, $0xE;
	[tilespmem:$0x290] =	vst v56  }
0xad: {  	v2 =	vand.u32 $0x3FFF, v2;
	[tilespmem:$0x2F0] =	vst v62  }
0xae: {  	v8 =	vshrl.u32 v5, $0xE;
	[tilespmem:$0x1F0] =	vst v2  }
0xaf: {  	v58 =	vand.u32 $0x3FFF, v5;
	[tilespmem:$0x280] =	vst v8  }
0xb0: {  	[tilespmem:$0x180] =	vst v58;
	v60 =	vand.u32 $0x3FFF, v3  }
0xb1: {  	v57 =	vld [tilespmem:$0xD0];
	v3 =	vshrl.u32 v3, $0xE;
	[tilespmem:$0x1A0] =	vst v60  }
0xb2: {  	v59 =	vshrl.u32 v1, $0xE;
	[tilespmem:$0x2A0] =	vst v3  }
0xb3: {  	v3 =	vld [tilespmem:$0xE0];
	v1 =	vand.u32 $0x3FFF, v1;
	[tilespmem:$0x2B0] =	vst v59  }
0xb4: {  	v63 =	vshrl.u32 v4, $0xE;
	[tilespmem:$0x1B0] =	vst v1  }
0xb5: {  	v1 =	vand.u32 $0x3FFF, v4;
	[tilespmem:$0x2C0] =	vst v63  }
0xb6: {  	v61 =	vand.u32 $0x3FFF, v57;
	[tilespmem:$0x1C0] =	vst v1  }
0xb7: {  	v2 =	vshrl.u32 v57, $0xE;
	[tilespmem:$0x1D0] =	vst v61  }
0xb8: {  	[tilespmem:$0x2D0] =	vst v2;
	v1 =	vshrl.u32 v3, $0xE  }
0xb9: {  	[tilespmem:$0x2E0] =	vst v1;
	v1 =	vand.u32 $0x3FFF, v3  }
0xba: {  	[tilespmem:$0x1E0] =	vst v1  }
0xbb: {  	[tilespmem:s28], [sflag:$0x4] =	stream.indirect.gather [hbm4b:s5+s21], $0x80, s26, s21, $0xb8;
	[tilespmem:$0x1FF00] =	vst v63  }
0xbc: {  	_ =	swait.ge [sflag:s29], $0x4000  }
0xbd: {  	[sflag:s29] =	ssyncset.done $0x0  }
0xbe: {  	[sflag:s29] =	ssyncadd.s32 $0xFFFFC000  }
0xbf: {  	[spmem:s1] =	stream.indirect.scatter.add.f32 [tilespmem:s24], [sflag:$0x5], $0x80, s30, s21, $0xb8;
	[tilespmem:$0x1FF00] =	vst v63  }
0xc0: {  	_ =	swait.ge [sflag:s31], $0x4000  }
0xc1: {  	[sflag:s31] =	ssyncset.done $0x0  }
0xc2: {  	[sflag:s31] =	ssyncadd.s32 $0xFFFFC000  }
0xc3: {  	[spmem:s1] =	stream.indirect.scatter.add.f32 [tilespmem:s28], [sflag:$0x6], $0x80, s0, s21, $0xb8;
	[tilespmem:$0x1FF00] =	vst v63  }
0xc4: {  	_ =	swait.ge [sflag:s2], $0x4000  }
0xc5: {  	[sflag:s2] =	ssyncset.done $0x0  }
0xc6: {  	[sflag:s2] =	ssyncadd.s32 $0xFFFFC000  }
0xc7: {  	_ =	swait.ge [sflag:s11], $0x4000  }
0xc8: {  	[sflag:s11] =	ssyncset.done $0x0  }
0xc9: {  	[sflag:s11] =	ssyncadd.s32 $0xFFFFC000  }
0xca: {  	[bflag:$0x0] =	sbarrier.arrive $0xFFFF  }
0xcb: {  	[tilespmem:s19], [sflag:$0x7] =	stream.linear.gather [spmem:s6], $0x4000, $0x38;
	[tilespmem:$0x1FF00] =	vst v63  }
0xcc: {  	_ =	swait.ge [sflag:s20], $0x4000  }
0xcd: {  	[sflag:s20] =	ssyncset.done $0x0  }
0xce: {  	s13 =	rddreg [dreg:$0x3];
	[sflag:s20] =	ssyncadd.s32 $0xFFFFC000  }
0xcf: {  	[hbm4b:s13+s3] =	stream.linear.scatter [tilespmem:s19], [sflag:$0x7], $0x4000, $0x38;
	[tilespmem:$0x1FF00] =	vst v63  }
0xd0: {  	_ =	swait.ge [sflag:s20], $0x4000  }
0xd1: {  	[sflag:s20] =	ssyncset.done $0x0  }
0xd2: {  	[sflag:s20] =	ssyncadd.s32 $0xFFFFC000  }
0xd3: {  	[tilespmem:s19], [sflag:$0x7] =	stream.linear.gather [spmem:s7], $0x4000, $0x38;
	[tilespmem:$0x1FF00] =	vst v63  }
0xd4: {  	_ =	swait.ge [sflag:s20], $0x4000  }
0xd5: {  	[sflag:s20] =	ssyncset.done $0x0  }
0xd6: {  	s14 =	rddreg [dreg:$0x4];
	[sflag:s20] =	ssyncadd.s32 $0xFFFFC000  }
0xd7: {  	[hbm4b:s14+s3] =	stream.linear.scatter [tilespmem:s19], [sflag:$0x7], $0x4000, $0x38;
	[tilespmem:$0x1FF00] =	vst v63  }
0xd8: {  	_ =	swait.ge [sflag:s20], $0x4000  }
0xd9: {  	[sflag:s20] =	ssyncset.done $0x0  }
0xda: {  	[sflag:s20] =	ssyncadd.s32 $0xFFFFC000  }
0xdb: {  	[tilespmem:s19], [sflag:$0x7] =	stream.linear.gather [spmem:s8], $0x4000, $0x38;
	[tilespmem:$0x1FF00] =	vst v63  }
0xdc: {  	_ =	swait.ge [sflag:s20], $0x4000  }
0xdd: {  	[sflag:s20] =	ssyncset.done $0x0  }
0xde: {  	s15 =	rddreg [dreg:$0x5];
	[sflag:s20] =	ssyncadd.s32 $0xFFFFC000  }
0xdf: {  	[hbm4b:s15+s3] =	stream.linear.scatter [tilespmem:s19], [sflag:$0x7], $0x4000, $0x38;
	[tilespmem:$0x1FF00] =	vst v63  }
0xe0: {  	_ =	swait.ge [sflag:s20], $0x4000  }
0xe1: {  	[sflag:s20] =	ssyncset.done $0x0  }
0xe2: {  	[sflag:s20] =	ssyncadd.s32 $0xFFFFC000  }
0xe3: {  	[tilespmem:s19], [sflag:$0x7] =	stream.linear.gather [spmem:s9], $0x4000, $0x38;
	[tilespmem:$0x1FF00] =	vst v63  }
0xe4: {  	_ =	swait.ge [sflag:s20], $0x4000  }
0xe5: {  	[sflag:s20] =	ssyncset.done $0x0  }
0xe6: {  	s14 =	rddreg [dreg:$0x6];
	[sflag:s20] =	ssyncadd.s32 $0xFFFFC000  }
0xe7: {  	[hbm4b:s14+s3] =	stream.linear.scatter [tilespmem:s19], [sflag:$0x7], $0x4000, $0x38;
	[tilespmem:$0x1FF00] =	vst v63  }
0xe8: {  	_ =	swait.ge [sflag:s20], $0x4000  }
0xe9: {  	[sflag:s20] =	ssyncset.done $0x0  }
0xea: {  	[sflag:s20] =	ssyncadd.s32 $0xFFFFC000  }
0xeb: {  	[tilespmem:s19], [sflag:$0x7] =	stream.linear.gather [spmem:s10], $0x3C00, $0x38;
	[tilespmem:$0x1FF00] =	vst v63  }
0xec: {  	s12 =	sadd.s32 $0x1, s12;
	_ =	swait.ge [sflag:s20], $0x3C00  }
0xed: {  	p0 =	sne.s32 s12, s16;
	[sflag:s20] =	ssyncset.done $0x0  }
.Ltmp2:
0xee: {  	s15 =	rddreg [dreg:$0x7];
	[sflag:s20] =	ssyncadd.s32 $0xFFFFC400;
	(pc) =	sbr.rel @p0 .LBB2_1-.Ltmp2, $4  }
0xef: {  	[hbm4b:s15+s3] =	stream.linear.scatter [tilespmem:s19], [sflag:$0x7], $0x3C00, $0x38;
	[tilespmem:$0x1FF00] =	vst v63  }
0xf0: {  	_ =	swait.ge [sflag:s20], $0x3C00  }
0xf1: {  	[sflag:s20] =	ssyncset.done $0x0  }
0xf2: {  	[sflag:s20] =	ssyncadd.s32 $0xFFFFC400  }
0xf3: {  	_ =	sfence.sel $0x180000  }
0xf4: {  	[bflag:$0x0] =	sbarrier.arrive $0xFFFF  }
0xf5: {  	_ =	strace $0x9000004A  }
0xf6: {  	s0 =	stileid.u32;
	[bflag:$0x2] =	sbarrier.arrive $0xFFFF  }
0xf7: {  	p0 =	sne.s32 s0, $0x0;
	s0 =	rddreg [dreg:$0x2]  }
0xf8: {  	s0 =	sadd.s32 @!p0 $0x100000, s0  }
0xf9: {  	[sflag:s0] =	ssyncadd.tile.s32 @!p0 $0x1;
	_ =	shalt  }
.Lfunc_end2:
_tile_overlayer_lowered:
.L_overlay_start_2:
0xfa: {  	(tag) =	ssettag $0x2  }
0xfb: {  	s0 =	rddreg [dreg:$0x0];
	s2 =	stileid.u32  }
0xfc: {  	s1 =	rddreg [dreg:$0x1];
	p0 =	sne.s32 s2, $0x0  }
0xfd: {  	s3 =	rddreg [dreg:$0x2];
	[bflag:$0x3] =	sbarrier.arrive $0xFFFF;
	s2 =	simm.s32 @!p0 $0x1C07  }
0xfe: {  	[timem:s3], [sflag:s2] =	dma.local @!p0 [hbm:s0], s1  }
0xff: {  	s0 =	simm.s32 @!p0 $0x7  }
0x100: {  	_ =	swait.ge @!p0 [sflag:s0], s1  }
0x101: {  	s1 =	ssub.s32 @!p0 $0x0, s1;
	[sflag:s0] =	ssyncset.done @!p0 $0x0  }
0x102: {  	[sflag:s0] =	ssyncadd.s32 @!p0 s1  }
0x103: {  	[bflag:$0x3] =	sbarrier.arrive $0xFFFF  }
0x104: {  	_ =	shalt  }

</sc_bundles>
